<compile_context>
chip_gen: v7x
topology: tpu7x:2x2x1
jax: 0.10.2.dev20260603
libtpu: 0.0.44.dev20260713+nightly
codegen_flags: <defaults>
</compile_context>

<pallas_src>
import functools

import jax
import jax.numpy as jnp
from jax import lax
from jax.experimental import pallas as pl
from jax.experimental.pallas import tpu as pltpu
from jax.experimental.pallas import tpu_sc as plsc

N = 10000
E = 320000
D = 128
HID = 128
OUT = 128

NC = 2
NS = 16
NW = NC * NS
CHUNK = 64
TOTAL_CHUNKS = E // CHUNK
NSLOT = -(-TOTAL_CHUNKS // NW)
NBUF = 6
LEAD = 2
NPAD = 10112
ROWS_PER_TILE = NPAD // NS


def _sc_body(efeat_hbm, eif_hbm, zeros_hbm, out_hbm, eout_hbm, *refs):
    idxs = refs[0:NBUF]
    rows = refs[NBUF:2 * NBUF]
    agg_sh = refs[2 * NBUF]
    sems = refs[2 * NBUF + 1:2 * NBUF + 1 + NBUF]
    wsems = refs[2 * NBUF + 1 + NBUF:2 * NBUF + 1 + 2 * NBUF]
    ssems = refs[2 * NBUF + 1 + 2 * NBUF:2 * NBUF + 1 + 3 * NBUF]

    cid = lax.axis_index("c")
    sid = lax.axis_index("s")
    wid = sid * NC + cid

    r0 = sid * ROWS_PER_TILE
    pltpu.sync_copy(zeros_hbm, agg_sh.at[pl.ds(r0, ROWS_PER_TILE)])
    plsc.subcore_barrier()

    bufs = tuple(
        (idxs[b], rows[b], sems[b], wsems[b], ssems[b]) for b in range(NBUF))

    def q_of(s):
        return s * NW + wid

    def e_off(s):
        return pl.multiple_of(q_of(s) * CHUNK, 8)

    def idx_copy(s, idx_v, sem):
        return pltpu.make_async_copy(
            eif_hbm.at[pl.ds(E + e_off(s), CHUNK)], idx_v, sem)

    def row_copy(s, rows_v, sem):
        return pltpu.make_async_copy(
            efeat_hbm.at[pl.ds(e_off(s), CHUNK)], rows_v, sem)

    def wb_copy(s, rows_v, wsem):
        return pltpu.make_async_copy(
            rows_v, eout_hbm.at[pl.ds(e_off(s), CHUNK)], wsem)

    def scat_wait(idx_v, rows_v, ssem):
        pltpu.make_async_copy(rows_v, agg_sh.at[idx_v], ssem).wait()

    def load(s, b):
        idx_v, rows_v, sem, wsem, ssem = bufs[b]

        @pl.when(q_of(s) < TOTAL_CHUNKS)
        def _():
            @pl.when((s >= NBUF) & (q_of(s - NBUF) < TOTAL_CHUNKS))
            def _():
                scat_wait(idx_v, rows_v, ssem)
                wb_copy(s - NBUF, rows_v, wsem).wait()

            idx_copy(s, idx_v, sem).start()
            row_copy(s, rows_v, sem).start()

    def process(s, b):
        idx_v, rows_v, sem, wsem, ssem = bufs[b]

        @pl.when(q_of(s) < TOTAL_CHUNKS)
        def _():
            idx_copy(s, idx_v, sem).wait()
            row_copy(s, rows_v, sem).wait()
            wb_copy(s, rows_v, wsem).start()
            pltpu.async_copy(rows_v, agg_sh.at[idx_v], ssem, add=True)

    for b in range(LEAD):
        load(b, b)

    def ring_body(i, carry):
        for b in range(NBUF):
            s = NBUF * i + b
            load(s + LEAD, (b + LEAD) % NBUF)
            process(s, b)
        return carry

    lax.fori_loop(0, -(-NSLOT // NBUF), ring_body, 0)
    for s in range(max(0, NSLOT - NBUF - 1), NSLOT):
        idx_v, rows_v, sem, wsem, ssem = bufs[s % NBUF]

        @pl.when((q_of(s) < TOTAL_CHUNKS)
                 & (q_of(s + NBUF) >= TOTAL_CHUNKS))
        def _():
            scat_wait(idx_v, rows_v, ssem)
            wb_copy(s, rows_v, wsem).wait()

    plsc.subcore_barrier()

    pltpu.sync_copy(agg_sh.at[pl.ds(r0, ROWS_PER_TILE)],
                    out_hbm.at[cid, pl.ds(r0, ROWS_PER_TILE)])


def _sc_segment_partials(efeat, eif, zeros):
    mesh = plsc.VectorSubcoreMesh(core_axis_name="c", subcore_axis_name="s")
    return pl.kernel(
        _sc_body,
        mesh=mesh,
        out_type=[jax.ShapeDtypeStruct((NC, NPAD, D), jnp.float32),
                  jax.ShapeDtypeStruct((E, D), jnp.float32)],
        scratch_types=(
            [pltpu.VMEM((CHUNK,), jnp.int32)] * NBUF
            + [pltpu.VMEM((CHUNK, D), jnp.float32)] * NBUF
            + [pltpu.VMEM_SHARED((NPAD, D), jnp.float32)]
            + [pltpu.SemaphoreType.DMA] * (3 * NBUF)
        ),
    )(efeat, eif, zeros)


CPBLK = 8000


def _copy_body(x_ref, o_ref):
    o_ref[...] = x_ref[...]


def _tc_copy(x):
    return pl.pallas_call(
        _copy_body,
        grid=(E // CPBLK,),
        in_specs=[pl.BlockSpec((CPBLK, D), lambda i: (i, 0))],
        out_specs=pl.BlockSpec((CPBLK, D), lambda i: (i, 0)),
        out_shape=jax.ShapeDtypeStruct((E, D), jnp.float32),
    )(x)


BLK = 2000


def _tc_body(p_ref, nf_ref, w1a_ref, w1b_ref, b1_ref, w2_ref, b2_ref,
             g_ref, b_ref, out_ref):
    agg = p_ref[0] + p_ref[1]
    nf = nf_ref[...]
    h = (
        jnp.dot(agg, w1a_ref[...], preferred_element_type=jnp.float32)
        + jnp.dot(nf, w1b_ref[...], preferred_element_type=jnp.float32)
        + b1_ref[...]
    )
    h = h * jax.nn.sigmoid(h)
    h = jnp.dot(h, w2_ref[...], preferred_element_type=jnp.float32) + b2_ref[...]
    mean = jnp.mean(h, axis=-1, keepdims=True)
    var = jnp.mean((h - mean) ** 2, axis=-1, keepdims=True)
    h = (h - mean) * lax.rsqrt(var + 1e-5) * g_ref[...] + b_ref[...]
    out_ref[...] = h + nf


def _tc_mlp(partials, nfeat, w1a, w1b, b1, w2t, b2, gamma, beta):
    grid = (N // BLK,)
    return pl.pallas_call(
        _tc_body,
        grid=grid,
        in_specs=[
            pl.BlockSpec((NC, BLK, D), lambda i: (0, i, 0)),
            pl.BlockSpec((BLK, D), lambda i: (i, 0)),
            pl.BlockSpec((D, HID), lambda i: (0, 0)),
            pl.BlockSpec((D, HID), lambda i: (0, 0)),
            pl.BlockSpec((1, HID), lambda i: (0, 0)),
            pl.BlockSpec((HID, OUT), lambda i: (0, 0)),
            pl.BlockSpec((1, OUT), lambda i: (0, 0)),
            pl.BlockSpec((1, OUT), lambda i: (0, 0)),
            pl.BlockSpec((1, OUT), lambda i: (0, 0)),
        ],
        out_specs=pl.BlockSpec((BLK, OUT), lambda i: (i, 0)),
        out_shape=jax.ShapeDtypeStruct((N, OUT), jnp.float32),
    )(partials, nfeat, w1a, w1b, b1, w2t, b2, gamma, beta)


def kernel(efeat, nfeat, edge_index, W1, b1, W2, b2, gamma, beta):
    eif = edge_index.reshape(-1)
    zeros = jnp.zeros((ROWS_PER_TILE, D), dtype=jnp.float32)
    partials, efeat_out = _sc_segment_partials(efeat, eif, zeros)

    w1t = W1.T
    w1a = w1t[:D]
    w1b = w1t[D:]
    w2t = W2.T
    nfeat_new = _tc_mlp(
        partials, nfeat, w1a, w1b, b1.reshape(1, HID), w2t,
        b2.reshape(1, OUT), gamma.reshape(1, OUT), beta.reshape(1, OUT))
    return (efeat_out, nfeat_new)

# --- scband reference (transcript-rebuilt; emitter-appended) ---
"""Pipeline reference for scband-mesh-node-block-57071525429418 (READ-ONLY COPY).

The authoritative reference and input builder live on the scoring server;
editing this copy changes nothing except your own understanding.
"""

import jax, jax.numpy as jnp
import numpy as np

N = 10000
E = 320000
D = 128
HID = 128
OUT = 128


def setup_inputs(seed: int = 0) -> dict:
    key = jax.random.key(seed)
    ks = jax.random.split(key, 10)
    efeat = jax.random.normal(ks[0], (E, D), dtype=jnp.float32)
    nfeat = jax.random.normal(ks[1], (N, D), dtype=jnp.float32)
    edge_index = jax.random.randint(ks[2], (2, E), 0, N, dtype=jnp.int32)
    cin = D + D  # input_dim_nodes + input_dim_edges
    W1 = jax.random.normal(ks[3], (HID, cin), dtype=jnp.float32) * (1.0 / np.sqrt(cin))
    b1 = jnp.zeros((HID,), dtype=jnp.float32)
    W2 = jax.random.normal(ks[4], (OUT, HID), dtype=jnp.float32) * (1.0 / np.sqrt(HID))
    b2 = jnp.zeros((OUT,), dtype=jnp.float32)
    gamma = jnp.ones((OUT,), dtype=jnp.float32)
    beta = jnp.zeros((OUT,), dtype=jnp.float32)
    return {"efeat": efeat, "nfeat": nfeat, "edge_index": edge_index,
            "W1": W1, "b1": b1, "W2": W2, "b2": b2, "gamma": gamma, "beta": beta}


def reference(efeat, nfeat, edge_index, W1, b1, W2, b2, gamma, beta):
    # aggregate_and_concat: sum edge features onto destination nodes, concat with node features
    dst = edge_index[1]
    agg = jax.ops.segment_sum(efeat, dst, num_segments=N)
    cat_feat = jnp.concatenate([agg, nfeat], axis=-1)
    # MeshGraphMLP (hidden_layers=1): Linear -> SiLU -> Linear -> LayerNorm
    h = cat_feat @ W1.T + b1
    h = h * jax.nn.sigmoid(h)  # SiLU
    h = h @ W2.T + b2
    mean = jnp.mean(h, axis=-1, keepdims=True)
    var = jnp.var(h, axis=-1, keepdims=True)
    h = (h - mean) / jnp.sqrt(var + 1e-5) * gamma + beta
    nfeat_new = h + nfeat  # residual
    return (efeat, nfeat_new)

if __name__ == "__main__":
    import jax
    _d = setup_inputs()
    print(jax.jit(kernel)(*tuple(_d.values())))

</pallas_src>

<mosaic_0001>
#map = affine_map<(d0, d1) -> (0, 0)>
#map1 = affine_map<(d0, d1) -> (0)>
#map2 = affine_map<(d0, d1) -> (0, 0, 0)>
module attributes {stable_mosaic.version = 14 : i64} {
  func.func @_sc_body(%arg0: i32, %arg1: i32, %arg2: memref<320000x128xf32, #tpu.memory_space<hbm>>, %arg3: memref<640000xi32, #tpu.memory_space<hbm>>, %arg4: memref<632x128xf32, #tpu.memory_space<hbm>>, %arg5: memref<2x10112x128xf32, #tpu.memory_space<hbm>>, %arg6: memref<320000x128xf32, #tpu.memory_space<hbm>>, %arg7: memref<64xi32, #tpu.memory_space<vmem>>, %arg8: memref<64xi32, #tpu.memory_space<vmem>>, %arg9: memref<64xi32, #tpu.memory_space<vmem>>, %arg10: memref<64xi32, #tpu.memory_space<vmem>>, %arg11: memref<64xi32, #tpu.memory_space<vmem>>, %arg12: memref<64xi32, #tpu.memory_space<vmem>>, %arg13: memref<64x128xf32, #tpu.memory_space<vmem>>, %arg14: memref<64x128xf32, #tpu.memory_space<vmem>>, %arg15: memref<64x128xf32, #tpu.memory_space<vmem>>, %arg16: memref<64x128xf32, #tpu.memory_space<vmem>>, %arg17: memref<64x128xf32, #tpu.memory_space<vmem>>, %arg18: memref<64x128xf32, #tpu.memory_space<vmem>>, %arg19: memref<10112x128xf32, #tpu.memory_space<vmem_shared>>, %arg20: memref<!tpu.dma_semaphore, #tpu.memory_space<semaphore_mem>>, %arg21: memref<!tpu.dma_semaphore, #tpu.memory_space<semaphore_mem>>, %arg22: memref<!tpu.dma_semaphore, #tpu.memory_space<semaphore_mem>>, %arg23: memref<!tpu.dma_semaphore, #tpu.memory_space<semaphore_mem>>, %arg24: memref<!tpu.dma_semaphore, #tpu.memory_space<semaphore_mem>>, %arg25: memref<!tpu.dma_semaphore, #tpu.memory_space<semaphore_mem>>, %arg26: memref<!tpu.dma_semaphore, #tpu.memory_space<semaphore_mem>>, %arg27: memref<!tpu.dma_semaphore, #tpu.memory_space<semaphore_mem>>, %arg28: memref<!tpu.dma_semaphore, #tpu.memory_space<semaphore_mem>>, %arg29: memref<!tpu.dma_semaphore, #tpu.memory_space<semaphore_mem>>, %arg30: memref<!tpu.dma_semaphore, #tpu.memory_space<semaphore_mem>>, %arg31: memref<!tpu.dma_semaphore, #tpu.memory_space<semaphore_mem>>, %arg32: memref<!tpu.dma_semaphore, #tpu.memory_space<semaphore_mem>>, %arg33: memref<!tpu.dma_semaphore, #tpu.memory_space<semaphore_mem>>, %arg34: memref<!tpu.dma_semaphore, #tpu.memory_space<semaphore_mem>>, %arg35: memref<!tpu.dma_semaphore, #tpu.memory_space<semaphore_mem>>, %arg36: memref<!tpu.dma_semaphore, #tpu.memory_space<semaphore_mem>>, %arg37: memref<!tpu.dma_semaphore, #tpu.memory_space<semaphore_mem>>) attributes {dimension_semantics = [#tpu.dimension_semantics<core_parallel>, #tpu.dimension_semantics<subcore_parallel>], iteration_bounds = array<i64: 2, 16>, scalar_prefetch = 0 : i64, scratch_operands = 31 : i64, tpu.core_type = #tpu.core_type<sc_vector_subcore>, window_params = [{transform_indices = #map}, {transform_indices = #map1}, {transform_indices = #map}, {transform_indices = #map2}, {transform_indices = #map}]} {
    %mul3A = arith.constant 2 : i32
    %mul3A_0 = arith.muli %arg1, %mul3A : i32
    %add3A = arith.addi %mul3A_0, %arg0 : i32
    %mul3A_1 = arith.constant 632 : i32
    %mul3A_2 = arith.muli %arg1, %mul3A_1 : i32
    "tpu.region"() ({
      %run_scoped3A = tpu.sem_alloc : memref<!tpu.dma_semaphore, #tpu.memory_space<semaphore_mem>>
      %dma_start3A = arith.constant 0 : i32
      %dma_start3A_102 = tpu.memref_slice %arg19[%mul3A_2, %dma_start3A] : memref<10112x128xf32, #tpu.memory_space<vmem_shared>> -> memref<632x128xf32, #tpu.memory_space<vmem_shared>>
      tpu.enqueue_dma source(%arg4 : memref<632x128xf32, #tpu.memory_space<hbm>>) target(%dma_start3A_102 : memref<632x128xf32, #tpu.memory_space<vmem_shared>>) target_semaphore(%run_scoped3A : memref<!tpu.dma_semaphore, #tpu.memory_space<semaphore_mem>>)
      %dma_wait3A = arith.constant 0 : i32
      %dma_wait3A_103 = tpu.memref_slice %arg19[%mul3A_2, %dma_wait3A] : memref<10112x128xf32, #tpu.memory_space<vmem_shared>> -> memref<632x128xf32, #tpu.memory_space<vmem_shared>>
      tpu.wait_dma2 semaphore(%run_scoped3A : memref<!tpu.dma_semaphore, #tpu.memory_space<semaphore_mem>>) src(%arg4 : memref<632x128xf32, #tpu.memory_space<hbm>>) dst(%dma_wait3A_103 : memref<632x128xf32, #tpu.memory_space<vmem_shared>>)
      tpu.yield
    }) : () -> ()
    %barrier3A = arith.constant 0 : index
    tpu.barrier barrier_id(%barrier3A)
    %add3A_3 = arith.constant 0 : i32
    %add3A_4 = arith.addi %add3A_3, %add3A : i32
    %lt3A = arith.constant 5000 : i32
    %lt3A_5 = arith.cmpi slt, %add3A_4, %lt3A : i32
    %convert_element_type3A = arith.extui %lt3A_5 : i1 to i32
    %cond3A = arith.constant 0 : i32
    %cond3A_6 = arith.cmpi ne, %convert_element_type3A, %cond3A : i32
    scf.if %cond3A_6 {
      %add3A_102 = arith.constant -192 : i32
      %add3A_103 = arith.addi %add3A_102, %add3A : i32
      %lt3A_104 = arith.constant 5000 : i32
      %lt3A_105 = arith.cmpi slt, %add3A_103, %lt3A_104 : i32
      %and3A_106 = arith.constant false
      %and3A_107 = arith.andi %and3A_106, %lt3A_105 : i1
      %convert_element_type3A_108 = arith.extui %and3A_107 : i1 to i32
      %cond3A_109 = arith.constant 0 : i32
      %cond3A_110 = arith.cmpi ne, %convert_element_type3A_108, %cond3A_109 : i32
      scf.if %cond3A_110 {
        %dma_wait3A = arith.constant 0 : i32
        %dma_wait3A_127 = arith.constant 0 : i32
        %dma_wait3A_128 = tpu.memref_slice %arg19[%dma_wait3A, %dma_wait3A_127] : memref<10112x128xf32, #tpu.memory_space<vmem_shared>> -> memref<10112x128xf32, #tpu.memory_space<vmem_shared>>
        tpu.wait_indirect_dma semaphore(%arg32 : memref<!tpu.dma_semaphore, #tpu.memory_space<semaphore_mem>>) src(%arg13 : memref<64x128xf32, #tpu.memory_space<vmem>>) dst(%dma_wait3A_128 : memref<10112x128xf32, #tpu.memory_space<vmem_shared>>)
        %add3A_129 = arith.constant -192 : i32
        %add3A_130 = arith.addi %add3A_129, %add3A : i32
        %mul3A_131 = arith.constant 64 : i32
        %mul3A_132 = arith.muli %add3A_130, %mul3A_131 : i32
        %multiple_of3A_133 = tpu.assume_multiple %mul3A_132, 8 : i32
        %dma_wait3A_134 = arith.constant 0 : i32
        %dma_wait3A_135 = tpu.memref_slice %arg6[%multiple_of3A_133, %dma_wait3A_134] : memref<320000x128xf32, #tpu.memory_space<hbm>> -> memref<64x128xf32, #tpu.memory_space<hbm>>
        %dma_wait3A_136 = arith.constant 0 : i32
        %dma_wait3A_137 = tpu.memref_slice %arg6[%multiple_of3A_133, %dma_wait3A_136] : memref<320000x128xf32, #tpu.memory_space<hbm>> -> memref<64x128xf32, #tpu.memory_space<hbm>>
        tpu.wait_dma2 semaphore(%arg26 : memref<!tpu.dma_semaphore, #tpu.memory_space<semaphore_mem>>) src(%arg13 : memref<64x128xf32, #tpu.memory_space<vmem>>) dst(%dma_wait3A_137 : memref<64x128xf32, #tpu.memory_space<hbm>>)
      } else {
      }
      %add3A_111 = arith.constant 0 : i32
      %add3A_112 = arith.addi %add3A_111, %add3A : i32
      %mul3A_113 = arith.constant 64 : i32
      %mul3A_114 = arith.muli %add3A_112, %mul3A_113 : i32
      %multiple_of3A = tpu.assume_multiple %mul3A_114, 8 : i32
      %add3A_115 = arith.constant 320000 : i32
      %add3A_116 = arith.addi %add3A_115, %multiple_of3A : i32
      %dma_start3A = tpu.memref_slice %arg3[%add3A_116] : memref<640000xi32, #tpu.memory_space<hbm>> -> memref<64xi32, #tpu.memory_space<hbm>>
      %dma_start3A_117 = tpu.memref_slice %arg3[%add3A_116] : memref<640000xi32, #tpu.memory_space<hbm>> -> memref<64xi32, #tpu.memory_space<hbm>>
      tpu.enqueue_dma source(%dma_start3A_117 : memref<64xi32, #tpu.memory_space<hbm>>) target(%arg7 : memref<64xi32, #tpu.memory_space<vmem>>) target_semaphore(%arg20 : memref<!tpu.dma_semaphore, #tpu.memory_space<semaphore_mem>>)
      %add3A_118 = arith.constant 0 : i32
      %add3A_119 = arith.addi %add3A_118, %add3A : i32
      %mul3A_120 = arith.constant 64 : i32
      %mul3A_121 = arith.muli %add3A_119, %mul3A_120 : i32
      %multiple_of3A_122 = tpu.assume_multiple %mul3A_121, 8 : i32
      %dma_start3A_123 = arith.constant 0 : i32
      %dma_start3A_124 = tpu.memref_slice %arg2[%multiple_of3A_122, %dma_start3A_123] : memref<320000x128xf32, #tpu.memory_space<hbm>> -> memref<64x128xf32, #tpu.memory_space<hbm>>
      %dma_start3A_125 = arith.constant 0 : i32
      %dma_start3A_126 = tpu.memref_slice %arg2[%multiple_of3A_122, %dma_start3A_125] : memref<320000x128xf32, #tpu.memory_space<hbm>> -> memref<64x128xf32, #tpu.memory_space<hbm>>
      tpu.enqueue_dma source(%dma_start3A_126 : memref<64x128xf32, #tpu.memory_space<hbm>>) target(%arg13 : memref<64x128xf32, #tpu.memory_space<vmem>>) target_semaphore(%arg20 : memref<!tpu.dma_semaphore, #tpu.memory_space<semaphore_mem>>)
    } else {
    }
    %add3A_7 = arith.constant 32 : i32
    %add3A_8 = arith.addi %add3A_7, %add3A : i32
    %lt3A_9 = arith.constant 5000 : i32
    %lt3A_10 = arith.cmpi slt, %add3A_8, %lt3A_9 : i32
    %convert_element_type3A_11 = arith.extui %lt3A_10 : i1 to i32
    %cond3A_12 = arith.constant 0 : i32
    %cond3A_13 = arith.cmpi ne, %convert_element_type3A_11, %cond3A_12 : i32
    scf.if %cond3A_13 {
      %add3A_102 = arith.constant -160 : i32
      %add3A_103 = arith.addi %add3A_102, %add3A : i32
      %lt3A_104 = arith.constant 5000 : i32
      %lt3A_105 = arith.cmpi slt, %add3A_103, %lt3A_104 : i32
      %and3A_106 = arith.constant false
      %and3A_107 = arith.andi %and3A_106, %lt3A_105 : i1
      %convert_element_type3A_108 = arith.extui %and3A_107 : i1 to i32
      %cond3A_109 = arith.constant 0 : i32
      %cond3A_110 = arith.cmpi ne, %convert_element_type3A_108, %cond3A_109 : i32
      scf.if %cond3A_110 {
        %dma_wait3A = arith.constant 0 : i32
        %dma_wait3A_127 = arith.constant 0 : i32
        %dma_wait3A_128 = tpu.memref_slice %arg19[%dma_wait3A, %dma_wait3A_127] : memref<10112x128xf32, #tpu.memory_space<vmem_shared>> -> memref<10112x128xf32, #tpu.memory_space<vmem_shared>>
        tpu.wait_indirect_dma semaphore(%arg33 : memref<!tpu.dma_semaphore, #tpu.memory_space<semaphore_mem>>) src(%arg14 : memref<64x128xf32, #tpu.memory_space<vmem>>) dst(%dma_wait3A_128 : memref<10112x128xf32, #tpu.memory_space<vmem_shared>>)
        %add3A_129 = arith.constant -160 : i32
        %add3A_130 = arith.addi %add3A_129, %add3A : i32
        %mul3A_131 = arith.constant 64 : i32
        %mul3A_132 = arith.muli %add3A_130, %mul3A_131 : i32
        %multiple_of3A_133 = tpu.assume_multiple %mul3A_132, 8 : i32
        %dma_wait3A_134 = arith.constant 0 : i32
        %dma_wait3A_135 = tpu.memref_slice %arg6[%multiple_of3A_133, %dma_wait3A_134] : memref<320000x128xf32, #tpu.memory_space<hbm>> -> memref<64x128xf32, #tpu.memory_space<hbm>>
        %dma_wait3A_136 = arith.constant 0 : i32
        %dma_wait3A_137 = tpu.memref_slice %arg6[%multiple_of3A_133, %dma_wait3A_136] : memref<320000x128xf32, #tpu.memory_space<hbm>> -> memref<64x128xf32, #tpu.memory_space<hbm>>
        tpu.wait_dma2 semaphore(%arg27 : memref<!tpu.dma_semaphore, #tpu.memory_space<semaphore_mem>>) src(%arg14 : memref<64x128xf32, #tpu.memory_space<vmem>>) dst(%dma_wait3A_137 : memref<64x128xf32, #tpu.memory_space<hbm>>)
      } else {
      }
      %add3A_111 = arith.constant 32 : i32
      %add3A_112 = arith.addi %add3A_111, %add3A : i32
      %mul3A_113 = arith.constant 64 : i32
      %mul3A_114 = arith.muli %add3A_112, %mul3A_113 : i32
      %multiple_of3A = tpu.assume_multiple %mul3A_114, 8 : i32
      %add3A_115 = arith.constant 320000 : i32
      %add3A_116 = arith.addi %add3A_115, %multiple_of3A : i32
      %dma_start3A = tpu.memref_slice %arg3[%add3A_116] : memref<640000xi32, #tpu.memory_space<hbm>> -> memref<64xi32, #tpu.memory_space<hbm>>
      %dma_start3A_117 = tpu.memref_slice %arg3[%add3A_116] : memref<640000xi32, #tpu.memory_space<hbm>> -> memref<64xi32, #tpu.memory_space<hbm>>
      tpu.enqueue_dma source(%dma_start3A_117 : memref<64xi32, #tpu.memory_space<hbm>>) target(%arg8 : memref<64xi32, #tpu.memory_space<vmem>>) target_semaphore(%arg21 : memref<!tpu.dma_semaphore, #tpu.memory_space<semaphore_mem>>)
      %add3A_118 = arith.constant 32 : i32
      %add3A_119 = arith.addi %add3A_118, %add3A : i32
      %mul3A_120 = arith.constant 64 : i32
      %mul3A_121 = arith.muli %add3A_119, %mul3A_120 : i32
      %multiple_of3A_122 = tpu.assume_multiple %mul3A_121, 8 : i32
      %dma_start3A_123 = arith.constant 0 : i32
      %dma_start3A_124 = tpu.memref_slice %arg2[%multiple_of3A_122, %dma_start3A_123] : memref<320000x128xf32, #tpu.memory_space<hbm>> -> memref<64x128xf32, #tpu.memory_space<hbm>>
      %dma_start3A_125 = arith.constant 0 : i32
      %dma_start3A_126 = tpu.memref_slice %arg2[%multiple_of3A_122, %dma_start3A_125] : memref<320000x128xf32, #tpu.memory_space<hbm>> -> memref<64x128xf32, #tpu.memory_space<hbm>>
      tpu.enqueue_dma source(%dma_start3A_126 : memref<64x128xf32, #tpu.memory_space<hbm>>) target(%arg14 : memref<64x128xf32, #tpu.memory_space<vmem>>) target_semaphore(%arg21 : memref<!tpu.dma_semaphore, #tpu.memory_space<semaphore_mem>>)
    } else {
    }
    %scan3A = arith.constant 0 : i32
    %scan3A_14 = arith.constant 0 : i32
    %scan3A_15 = arith.constant 27 : i32
    %scan3A_16 = arith.addi %scan3A_14, %scan3A_15 : i32
    %scan3A_17 = arith.constant 1 : i32
    scf.for %scan3A_102 = %scan3A_14 to %scan3A_16 step %scan3A_17  : i32 {
      %mul3A_103 = arith.constant 6 : i32
      %mul3A_104 = arith.muli %mul3A_103, %scan3A_102 : i32
      %add3A_105 = arith.constant 0 : i32
      %add3A_106 = arith.addi %mul3A_104, %add3A_105 : i32
      %add3A_107 = arith.constant 2 : i32
      %add3A_108 = arith.addi %add3A_106, %add3A_107 : i32
      %mul3A_109 = arith.constant 32 : i32
      %mul3A_110 = arith.muli %add3A_108, %mul3A_109 : i32
      %add3A_111 = arith.addi %mul3A_110, %add3A : i32
      %lt3A_112 = arith.constant 5000 : i32
      %lt3A_113 = arith.cmpi slt, %add3A_111, %lt3A_112 : i32
      %convert_element_type3A_114 = arith.extui %lt3A_113 : i1 to i32
      %cond3A_115 = arith.constant 0 : i32
      %cond3A_116 = arith.cmpi ne, %convert_element_type3A_114, %cond3A_115 : i32
      scf.if %cond3A_116 {
        %ge3A_235 = arith.constant 6 : i32
        %ge3A_236 = arith.cmpi sge, %add3A_108, %ge3A_235 : i32
        %sub3A = arith.constant 6 : i32
        %sub3A_237 = arith.subi %add3A_108, %sub3A : i32
        %mul3A_238 = arith.constant 32 : i32
        %mul3A_239 = arith.muli %sub3A_237, %mul3A_238 : i32
        %add3A_240 = arith.addi %mul3A_239, %add3A : i32
        %lt3A_241 = arith.constant 5000 : i32
        %lt3A_242 = arith.cmpi slt, %add3A_240, %lt3A_241 : i32
        %and3A_243 = arith.andi %ge3A_236, %lt3A_242 : i1
        %convert_element_type3A_244 = arith.extui %and3A_243 : i1 to i32
        %cond3A_245 = arith.constant 0 : i32
        %cond3A_246 = arith.cmpi ne, %convert_element_type3A_244, %cond3A_245 : i32
        scf.if %cond3A_246 {
          %dma_wait3A = arith.constant 0 : i32
          %dma_wait3A_265 = arith.constant 0 : i32
          %dma_wait3A_266 = tpu.memref_slice %arg19[%dma_wait3A, %dma_wait3A_265] : memref<10112x128xf32, #tpu.memory_space<vmem_shared>> -> memref<10112x128xf32, #tpu.memory_space<vmem_shared>>
          tpu.wait_indirect_dma semaphore(%arg34 : memref<!tpu.dma_semaphore, #tpu.memory_space<semaphore_mem>>) src(%arg15 : memref<64x128xf32, #tpu.memory_space<vmem>>) dst(%dma_wait3A_266 : memref<10112x128xf32, #tpu.memory_space<vmem_shared>>)
          %sub3A_267 = arith.constant 6 : i32
          %sub3A_268 = arith.subi %add3A_108, %sub3A_267 : i32
          %mul3A_269 = arith.constant 32 : i32
          %mul3A_270 = arith.muli %sub3A_268, %mul3A_269 : i32
          %add3A_271 = arith.addi %mul3A_270, %add3A : i32
          %mul3A_272 = arith.constant 64 : i32
          %mul3A_273 = arith.muli %add3A_271, %mul3A_272 : i32
          %multiple_of3A_274 = tpu.assume_multiple %mul3A_273, 8 : i32
          %dma_wait3A_275 = arith.constant 0 : i32
          %dma_wait3A_276 = tpu.memref_slice %arg6[%multiple_of3A_274, %dma_wait3A_275] : memref<320000x128xf32, #tpu.memory_space<hbm>> -> memref<64x128xf32, #tpu.memory_space<hbm>>
          %dma_wait3A_277 = arith.constant 0 : i32
          %dma_wait3A_278 = tpu.memref_slice %arg6[%multiple_of3A_274, %dma_wait3A_277] : memref<320000x128xf32, #tpu.memory_space<hbm>> -> memref<64x128xf32, #tpu.memory_space<hbm>>
          tpu.wait_dma2 semaphore(%arg28 : memref<!tpu.dma_semaphore, #tpu.memory_space<semaphore_mem>>) src(%arg15 : memref<64x128xf32, #tpu.memory_space<vmem>>) dst(%dma_wait3A_278 : memref<64x128xf32, #tpu.memory_space<hbm>>)
        } else {
        }
        %mul3A_247 = arith.constant 32 : i32
        %mul3A_248 = arith.muli %add3A_108, %mul3A_247 : i32
        %add3A_249 = arith.addi %mul3A_248, %add3A : i32
        %mul3A_250 = arith.constant 64 : i32
        %mul3A_251 = arith.muli %add3A_249, %mul3A_250 : i32
        %multiple_of3A = tpu.assume_multiple %mul3A_251, 8 : i32
        %add3A_252 = arith.constant 320000 : i32
        %add3A_253 = arith.addi %add3A_252, %multiple_of3A : i32
        %dma_start3A = tpu.memref_slice %arg3[%add3A_253] : memref<640000xi32, #tpu.memory_space<hbm>> -> memref<64xi32, #tpu.memory_space<hbm>>
        %dma_start3A_254 = tpu.memref_slice %arg3[%add3A_253] : memref<640000xi32, #tpu.memory_space<hbm>> -> memref<64xi32, #tpu.memory_space<hbm>>
        tpu.enqueue_dma source(%dma_start3A_254 : memref<64xi32, #tpu.memory_space<hbm>>) target(%arg9 : memref<64xi32, #tpu.memory_space<vmem>>) target_semaphore(%arg22 : memref<!tpu.dma_semaphore, #tpu.memory_space<semaphore_mem>>)
        %mul3A_255 = arith.constant 32 : i32
        %mul3A_256 = arith.muli %add3A_108, %mul3A_255 : i32
        %add3A_257 = arith.addi %mul3A_256, %add3A : i32
        %mul3A_258 = arith.constant 64 : i32
        %mul3A_259 = arith.muli %add3A_257, %mul3A_258 : i32
        %multiple_of3A_260 = tpu.assume_multiple %mul3A_259, 8 : i32
        %dma_start3A_261 = arith.constant 0 : i32
        %dma_start3A_262 = tpu.memref_slice %arg2[%multiple_of3A_260, %dma_start3A_261] : memref<320000x128xf32, #tpu.memory_space<hbm>> -> memref<64x128xf32, #tpu.memory_space<hbm>>
        %dma_start3A_263 = arith.constant 0 : i32
        %dma_start3A_264 = tpu.memref_slice %arg2[%multiple_of3A_260, %dma_start3A_263] : memref<320000x128xf32, #tpu.memory_space<hbm>> -> memref<64x128xf32, #tpu.memory_space<hbm>>
        tpu.enqueue_dma source(%dma_start3A_264 : memref<64x128xf32, #tpu.memory_space<hbm>>) target(%arg15 : memref<64x128xf32, #tpu.memory_space<vmem>>) target_semaphore(%arg22 : memref<!tpu.dma_semaphore, #tpu.memory_space<semaphore_mem>>)
      } else {
      }
      %mul3A_117 = arith.constant 32 : i32
      %mul3A_118 = arith.muli %add3A_106, %mul3A_117 : i32
      %add3A_119 = arith.addi %mul3A_118, %add3A : i32
      %lt3A_120 = arith.constant 5000 : i32
      %lt3A_121 = arith.cmpi slt, %add3A_119, %lt3A_120 : i32
      %convert_element_type3A_122 = arith.extui %lt3A_121 : i1 to i32
      %cond3A_123 = arith.constant 0 : i32
      %cond3A_124 = arith.cmpi ne, %convert_element_type3A_122, %cond3A_123 : i32
      scf.if %cond3A_124 {
        %mul3A_235 = arith.constant 32 : i32
        %mul3A_236 = arith.muli %add3A_106, %mul3A_235 : i32
        %add3A_237 = arith.addi %mul3A_236, %add3A : i32
        %mul3A_238 = arith.constant 64 : i32
        %mul3A_239 = arith.muli %add3A_237, %mul3A_238 : i32
        %multiple_of3A = tpu.assume_multiple %mul3A_239, 8 : i32
        %add3A_240 = arith.constant 320000 : i32
        %add3A_241 = arith.addi %add3A_240, %multiple_of3A : i32
        %dma_wait3A = tpu.memref_slice %arg3[%add3A_241] : memref<640000xi32, #tpu.memory_space<hbm>> -> memref<64xi32, #tpu.memory_space<hbm>>
        %dma_wait3A_242 = tpu.memref_slice %arg3[%add3A_241] : memref<640000xi32, #tpu.memory_space<hbm>> -> memref<64xi32, #tpu.memory_space<hbm>>
        tpu.wait_dma2 semaphore(%arg20 : memref<!tpu.dma_semaphore, #tpu.memory_space<semaphore_mem>>) src(%dma_wait3A_242 : memref<64xi32, #tpu.memory_space<hbm>>) dst(%arg7 : memref<64xi32, #tpu.memory_space<vmem>>)
        %mul3A_243 = arith.constant 32 : i32
        %mul3A_244 = arith.muli %add3A_106, %mul3A_243 : i32
        %add3A_245 = arith.addi %mul3A_244, %add3A : i32
        %mul3A_246 = arith.constant 64 : i32
        %mul3A_247 = arith.muli %add3A_245, %mul3A_246 : i32
        %multiple_of3A_248 = tpu.assume_multiple %mul3A_247, 8 : i32
        %dma_wait3A_249 = arith.constant 0 : i32
        %dma_wait3A_250 = tpu.memref_slice %arg2[%multiple_of3A_248, %dma_wait3A_249] : memref<320000x128xf32, #tpu.memory_space<hbm>> -> memref<64x128xf32, #tpu.memory_space<hbm>>
        %dma_wait3A_251 = arith.constant 0 : i32
        %dma_wait3A_252 = tpu.memref_slice %arg2[%multiple_of3A_248, %dma_wait3A_251] : memref<320000x128xf32, #tpu.memory_space<hbm>> -> memref<64x128xf32, #tpu.memory_space<hbm>>
        tpu.wait_dma2 semaphore(%arg20 : memref<!tpu.dma_semaphore, #tpu.memory_space<semaphore_mem>>) src(%dma_wait3A_252 : memref<64x128xf32, #tpu.memory_space<hbm>>) dst(%arg13 : memref<64x128xf32, #tpu.memory_space<vmem>>)
        %mul3A_253 = arith.constant 32 : i32
        %mul3A_254 = arith.muli %add3A_106, %mul3A_253 : i32
        %add3A_255 = arith.addi %mul3A_254, %add3A : i32
        %mul3A_256 = arith.constant 64 : i32
        %mul3A_257 = arith.muli %add3A_255, %mul3A_256 : i32
        %multiple_of3A_258 = tpu.assume_multiple %mul3A_257, 8 : i32
        %dma_start3A = arith.constant 0 : i32
        %dma_start3A_259 = tpu.memref_slice %arg6[%multiple_of3A_258, %dma_start3A] : memref<320000x128xf32, #tpu.memory_space<hbm>> -> memref<64x128xf32, #tpu.memory_space<hbm>>
        %dma_start3A_260 = arith.constant 0 : i32
        %dma_start3A_261 = tpu.memref_slice %arg6[%multiple_of3A_258, %dma_start3A_260] : memref<320000x128xf32, #tpu.memory_space<hbm>> -> memref<64x128xf32, #tpu.memory_space<hbm>>
        tpu.enqueue_dma source(%arg13 : memref<64x128xf32, #tpu.memory_space<vmem>>) target(%dma_start3A_261 : memref<64x128xf32, #tpu.memory_space<hbm>>) target_semaphore(%arg26 : memref<!tpu.dma_semaphore, #tpu.memory_space<semaphore_mem>>)
        %dma_start3A_262 = arith.constant 0 : i32
        %dma_start3A_263 = arith.constant 0 : i32
        %dma_start3A_264 = tpu.memref_slice %arg19[%dma_start3A_262, %dma_start3A_263] : memref<10112x128xf32, #tpu.memory_space<vmem_shared>> -> memref<10112x128xf32, #tpu.memory_space<vmem_shared>>
        tpu.enqueue_indirect_dma source(%arg13 : memref<64x128xf32, #tpu.memory_space<vmem>>) target(%dma_start3A_264 : memref<10112x128xf32, #tpu.memory_space<vmem_shared>>) offsets(%arg7 : memref<64xi32, #tpu.memory_space<vmem>>) semaphore(%arg32 : memref<!tpu.dma_semaphore, #tpu.memory_space<semaphore_mem>>) {add = true}
      } else {
      }
      %mul3A_125 = arith.constant 6 : i32
      %mul3A_126 = arith.muli %mul3A_125, %scan3A_102 : i32
      %add3A_127 = arith.constant 1 : i32
      %add3A_128 = arith.addi %mul3A_126, %add3A_127 : i32
      %add3A_129 = arith.constant 2 : i32
      %add3A_130 = arith.addi %add3A_128, %add3A_129 : i32
      %mul3A_131 = arith.constant 32 : i32
      %mul3A_132 = arith.muli %add3A_130, %mul3A_131 : i32
      %add3A_133 = arith.addi %mul3A_132, %add3A : i32
      %lt3A_134 = arith.constant 5000 : i32
      %lt3A_135 = arith.cmpi slt, %add3A_133, %lt3A_134 : i32
      %convert_element_type3A_136 = arith.extui %lt3A_135 : i1 to i32
      %cond3A_137 = arith.constant 0 : i32
      %cond3A_138 = arith.cmpi ne, %convert_element_type3A_136, %cond3A_137 : i32
      scf.if %cond3A_138 {
        %ge3A_235 = arith.constant 6 : i32
        %ge3A_236 = arith.cmpi sge, %add3A_130, %ge3A_235 : i32
        %sub3A = arith.constant 6 : i32
        %sub3A_237 = arith.subi %add3A_130, %sub3A : i32
        %mul3A_238 = arith.constant 32 : i32
        %mul3A_239 = arith.muli %sub3A_237, %mul3A_238 : i32
        %add3A_240 = arith.addi %mul3A_239, %add3A : i32
        %lt3A_241 = arith.constant 5000 : i32
        %lt3A_242 = arith.cmpi slt, %add3A_240, %lt3A_241 : i32
        %and3A_243 = arith.andi %ge3A_236, %lt3A_242 : i1
        %convert_element_type3A_244 = arith.extui %and3A_243 : i1 to i32
        %cond3A_245 = arith.constant 0 : i32
        %cond3A_246 = arith.cmpi ne, %convert_element_type3A_244, %cond3A_245 : i32
        scf.if %cond3A_246 {
          %dma_wait3A = arith.constant 0 : i32
          %dma_wait3A_265 = arith.constant 0 : i32
          %dma_wait3A_266 = tpu.memref_slice %arg19[%dma_wait3A, %dma_wait3A_265] : memref<10112x128xf32, #tpu.memory_space<vmem_shared>> -> memref<10112x128xf32, #tpu.memory_space<vmem_shared>>
          tpu.wait_indirect_dma semaphore(%arg35 : memref<!tpu.dma_semaphore, #tpu.memory_space<semaphore_mem>>) src(%arg16 : memref<64x128xf32, #tpu.memory_space<vmem>>) dst(%dma_wait3A_266 : memref<10112x128xf32, #tpu.memory_space<vmem_shared>>)
          %sub3A_267 = arith.constant 6 : i32
          %sub3A_268 = arith.subi %add3A_130, %sub3A_267 : i32
          %mul3A_269 = arith.constant 32 : i32
          %mul3A_270 = arith.muli %sub3A_268, %mul3A_269 : i32
          %add3A_271 = arith.addi %mul3A_270, %add3A : i32
          %mul3A_272 = arith.constant 64 : i32
          %mul3A_273 = arith.muli %add3A_271, %mul3A_272 : i32
          %multiple_of3A_274 = tpu.assume_multiple %mul3A_273, 8 : i32
          %dma_wait3A_275 = arith.constant 0 : i32
          %dma_wait3A_276 = tpu.memref_slice %arg6[%multiple_of3A_274, %dma_wait3A_275] : memref<320000x128xf32, #tpu.memory_space<hbm>> -> memref<64x128xf32, #tpu.memory_space<hbm>>
          %dma_wait3A_277 = arith.constant 0 : i32
          %dma_wait3A_278 = tpu.memref_slice %arg6[%multiple_of3A_274, %dma_wait3A_277] : memref<320000x128xf32, #tpu.memory_space<hbm>> -> memref<64x128xf32, #tpu.memory_space<hbm>>
          tpu.wait_dma2 semaphore(%arg29 : memref<!tpu.dma_semaphore, #tpu.memory_space<semaphore_mem>>) src(%arg16 : memref<64x128xf32, #tpu.memory_space<vmem>>) dst(%dma_wait3A_278 : memref<64x128xf32, #tpu.memory_space<hbm>>)
        } else {
        }
        %mul3A_247 = arith.constant 32 : i32
        %mul3A_248 = arith.muli %add3A_130, %mul3A_247 : i32
        %add3A_249 = arith.addi %mul3A_248, %add3A : i32
        %mul3A_250 = arith.constant 64 : i32
        %mul3A_251 = arith.muli %add3A_249, %mul3A_250 : i32
        %multiple_of3A = tpu.assume_multiple %mul3A_251, 8 : i32
        %add3A_252 = arith.constant 320000 : i32
        %add3A_253 = arith.addi %add3A_252, %multiple_of3A : i32
        %dma_start3A = tpu.memref_slice %arg3[%add3A_253] : memref<640000xi32, #tpu.memory_space<hbm>> -> memref<64xi32, #tpu.memory_space<hbm>>
        %dma_start3A_254 = tpu.memref_slice %arg3[%add3A_253] : memref<640000xi32, #tpu.memory_space<hbm>> -> memref<64xi32, #tpu.memory_space<hbm>>
        tpu.enqueue_dma source(%dma_start3A_254 : memref<64xi32, #tpu.memory_space<hbm>>) target(%arg10 : memref<64xi32, #tpu.memory_space<vmem>>) target_semaphore(%arg23 : memref<!tpu.dma_semaphore, #tpu.memory_space<semaphore_mem>>)
        %mul3A_255 = arith.constant 32 : i32
        %mul3A_256 = arith.muli %add3A_130, %mul3A_255 : i32
        %add3A_257 = arith.addi %mul3A_256, %add3A : i32
        %mul3A_258 = arith.constant 64 : i32
        %mul3A_259 = arith.muli %add3A_257, %mul3A_258 : i32
        %multiple_of3A_260 = tpu.assume_multiple %mul3A_259, 8 : i32
        %dma_start3A_261 = arith.constant 0 : i32
        %dma_start3A_262 = tpu.memref_slice %arg2[%multiple_of3A_260, %dma_start3A_261] : memref<320000x128xf32, #tpu.memory_space<hbm>> -> memref<64x128xf32, #tpu.memory_space<hbm>>
        %dma_start3A_263 = arith.constant 0 : i32
        %dma_start3A_264 = tpu.memref_slice %arg2[%multiple_of3A_260, %dma_start3A_263] : memref<320000x128xf32, #tpu.memory_space<hbm>> -> memref<64x128xf32, #tpu.memory_space<hbm>>
        tpu.enqueue_dma source(%dma_start3A_264 : memref<64x128xf32, #tpu.memory_space<hbm>>) target(%arg16 : memref<64x128xf32, #tpu.memory_space<vmem>>) target_semaphore(%arg23 : memref<!tpu.dma_semaphore, #tpu.memory_space<semaphore_mem>>)
      } else {
      }
      %mul3A_139 = arith.constant 32 : i32
      %mul3A_140 = arith.muli %add3A_128, %mul3A_139 : i32
      %add3A_141 = arith.addi %mul3A_140, %add3A : i32
      %lt3A_142 = arith.constant 5000 : i32
      %lt3A_143 = arith.cmpi slt, %add3A_141, %lt3A_142 : i32
      %convert_element_type3A_144 = arith.extui %lt3A_143 : i1 to i32
      %cond3A_145 = arith.constant 0 : i32
      %cond3A_146 = arith.cmpi ne, %convert_element_type3A_144, %cond3A_145 : i32
      scf.if %cond3A_146 {
        %mul3A_235 = arith.constant 32 : i32
        %mul3A_236 = arith.muli %add3A_128, %mul3A_235 : i32
        %add3A_237 = arith.addi %mul3A_236, %add3A : i32
        %mul3A_238 = arith.constant 64 : i32
        %mul3A_239 = arith.muli %add3A_237, %mul3A_238 : i32
        %multiple_of3A = tpu.assume_multiple %mul3A_239, 8 : i32
        %add3A_240 = arith.constant 320000 : i32
        %add3A_241 = arith.addi %add3A_240, %multiple_of3A : i32
        %dma_wait3A = tpu.memref_slice %arg3[%add3A_241] : memref<640000xi32, #tpu.memory_space<hbm>> -> memref<64xi32, #tpu.memory_space<hbm>>
        %dma_wait3A_242 = tpu.memref_slice %arg3[%add3A_241] : memref<640000xi32, #tpu.memory_space<hbm>> -> memref<64xi32, #tpu.memory_space<hbm>>
        tpu.wait_dma2 semaphore(%arg21 : memref<!tpu.dma_semaphore, #tpu.memory_space<semaphore_mem>>) src(%dma_wait3A_242 : memref<64xi32, #tpu.memory_space<hbm>>) dst(%arg8 : memref<64xi32, #tpu.memory_space<vmem>>)
        %mul3A_243 = arith.constant 32 : i32
        %mul3A_244 = arith.muli %add3A_128, %mul3A_243 : i32
        %add3A_245 = arith.addi %mul3A_244, %add3A : i32
        %mul3A_246 = arith.constant 64 : i32
        %mul3A_247 = arith.muli %add3A_245, %mul3A_246 : i32
        %multiple_of3A_248 = tpu.assume_multiple %mul3A_247, 8 : i32
        %dma_wait3A_249 = arith.constant 0 : i32
        %dma_wait3A_250 = tpu.memref_slice %arg2[%multiple_of3A_248, %dma_wait3A_249] : memref<320000x128xf32, #tpu.memory_space<hbm>> -> memref<64x128xf32, #tpu.memory_space<hbm>>
        %dma_wait3A_251 = arith.constant 0 : i32
        %dma_wait3A_252 = tpu.memref_slice %arg2[%multiple_of3A_248, %dma_wait3A_251] : memref<320000x128xf32, #tpu.memory_space<hbm>> -> memref<64x128xf32, #tpu.memory_space<hbm>>
        tpu.wait_dma2 semaphore(%arg21 : memref<!tpu.dma_semaphore, #tpu.memory_space<semaphore_mem>>) src(%dma_wait3A_252 : memref<64x128xf32, #tpu.memory_space<hbm>>) dst(%arg14 : memref<64x128xf32, #tpu.memory_space<vmem>>)
        %mul3A_253 = arith.constant 32 : i32
        %mul3A_254 = arith.muli %add3A_128, %mul3A_253 : i32
        %add3A_255 = arith.addi %mul3A_254, %add3A : i32
        %mul3A_256 = arith.constant 64 : i32
        %mul3A_257 = arith.muli %add3A_255, %mul3A_256 : i32
        %multiple_of3A_258 = tpu.assume_multiple %mul3A_257, 8 : i32
        %dma_start3A = arith.constant 0 : i32
        %dma_start3A_259 = tpu.memref_slice %arg6[%multiple_of3A_258, %dma_start3A] : memref<320000x128xf32, #tpu.memory_space<hbm>> -> memref<64x128xf32, #tpu.memory_space<hbm>>
        %dma_start3A_260 = arith.constant 0 : i32
        %dma_start3A_261 = tpu.memref_slice %arg6[%multiple_of3A_258, %dma_start3A_260] : memref<320000x128xf32, #tpu.memory_space<hbm>> -> memref<64x128xf32, #tpu.memory_space<hbm>>
        tpu.enqueue_dma source(%arg14 : memref<64x128xf32, #tpu.memory_space<vmem>>) target(%dma_start3A_261 : memref<64x128xf32, #tpu.memory_space<hbm>>) target_semaphore(%arg27 : memref<!tpu.dma_semaphore, #tpu.memory_space<semaphore_mem>>)
        %dma_start3A_262 = arith.constant 0 : i32
        %dma_start3A_263 = arith.constant 0 : i32
        %dma_start3A_264 = tpu.memref_slice %arg19[%dma_start3A_262, %dma_start3A_263] : memref<10112x128xf32, #tpu.memory_space<vmem_shared>> -> memref<10112x128xf32, #tpu.memory_space<vmem_shared>>
        tpu.enqueue_indirect_dma source(%arg14 : memref<64x128xf32, #tpu.memory_space<vmem>>) target(%dma_start3A_264 : memref<10112x128xf32, #tpu.memory_space<vmem_shared>>) offsets(%arg8 : memref<64xi32, #tpu.memory_space<vmem>>) semaphore(%arg33 : memref<!tpu.dma_semaphore, #tpu.memory_space<semaphore_mem>>) {add = true}
      } else {
      }
      %mul3A_147 = arith.constant 6 : i32
      %mul3A_148 = arith.muli %mul3A_147, %scan3A_102 : i32
      %add3A_149 = arith.constant 2 : i32
      %add3A_150 = arith.addi %mul3A_148, %add3A_149 : i32
      %add3A_151 = arith.constant 2 : i32
      %add3A_152 = arith.addi %add3A_150, %add3A_151 : i32
      %mul3A_153 = arith.constant 32 : i32
      %mul3A_154 = arith.muli %add3A_152, %mul3A_153 : i32
      %add3A_155 = arith.addi %mul3A_154, %add3A : i32
      %lt3A_156 = arith.constant 5000 : i32
      %lt3A_157 = arith.cmpi slt, %add3A_155, %lt3A_156 : i32
      %convert_element_type3A_158 = arith.extui %lt3A_157 : i1 to i32
      %cond3A_159 = arith.constant 0 : i32
      %cond3A_160 = arith.cmpi ne, %convert_element_type3A_158, %cond3A_159 : i32
      scf.if %cond3A_160 {
        %ge3A_235 = arith.constant 6 : i32
        %ge3A_236 = arith.cmpi sge, %add3A_152, %ge3A_235 : i32
        %sub3A = arith.constant 6 : i32
        %sub3A_237 = arith.subi %add3A_152, %sub3A : i32
        %mul3A_238 = arith.constant 32 : i32
        %mul3A_239 = arith.muli %sub3A_237, %mul3A_238 : i32
        %add3A_240 = arith.addi %mul3A_239, %add3A : i32
        %lt3A_241 = arith.constant 5000 : i32
        %lt3A_242 = arith.cmpi slt, %add3A_240, %lt3A_241 : i32
        %and3A_243 = arith.andi %ge3A_236, %lt3A_242 : i1
        %convert_element_type3A_244 = arith.extui %and3A_243 : i1 to i32
        %cond3A_245 = arith.constant 0 : i32
        %cond3A_246 = arith.cmpi ne, %convert_element_type3A_244, %cond3A_245 : i32
        scf.if %cond3A_246 {
          %dma_wait3A = arith.constant 0 : i32
          %dma_wait3A_265 = arith.constant 0 : i32
          %dma_wait3A_266 = tpu.memref_slice %arg19[%dma_wait3A, %dma_wait3A_265] : memref<10112x128xf32, #tpu.memory_space<vmem_shared>> -> memref<10112x128xf32, #tpu.memory_space<vmem_shared>>
          tpu.wait_indirect_dma semaphore(%arg36 : memref<!tpu.dma_semaphore, #tpu.memory_space<semaphore_mem>>) src(%arg17 : memref<64x128xf32, #tpu.memory_space<vmem>>) dst(%dma_wait3A_266 : memref<10112x128xf32, #tpu.memory_space<vmem_shared>>)
          %sub3A_267 = arith.constant 6 : i32
          %sub3A_268 = arith.subi %add3A_152, %sub3A_267 : i32
          %mul3A_269 = arith.constant 32 : i32
          %mul3A_270 = arith.muli %sub3A_268, %mul3A_269 : i32
          %add3A_271 = arith.addi %mul3A_270, %add3A : i32
          %mul3A_272 = arith.constant 64 : i32
          %mul3A_273 = arith.muli %add3A_271, %mul3A_272 : i32
          %multiple_of3A_274 = tpu.assume_multiple %mul3A_273, 8 : i32
          %dma_wait3A_275 = arith.constant 0 : i32
          %dma_wait3A_276 = tpu.memref_slice %arg6[%multiple_of3A_274, %dma_wait3A_275] : memref<320000x128xf32, #tpu.memory_space<hbm>> -> memref<64x128xf32, #tpu.memory_space<hbm>>
          %dma_wait3A_277 = arith.constant 0 : i32
          %dma_wait3A_278 = tpu.memref_slice %arg6[%multiple_of3A_274, %dma_wait3A_277] : memref<320000x128xf32, #tpu.memory_space<hbm>> -> memref<64x128xf32, #tpu.memory_space<hbm>>
          tpu.wait_dma2 semaphore(%arg30 : memref<!tpu.dma_semaphore, #tpu.memory_space<semaphore_mem>>) src(%arg17 : memref<64x128xf32, #tpu.memory_space<vmem>>) dst(%dma_wait3A_278 : memref<64x128xf32, #tpu.memory_space<hbm>>)
        } else {
        }
        %mul3A_247 = arith.constant 32 : i32
        %mul3A_248 = arith.muli %add3A_152, %mul3A_247 : i32
        %add3A_249 = arith.addi %mul3A_248, %add3A : i32
        %mul3A_250 = arith.constant 64 : i32
        %mul3A_251 = arith.muli %add3A_249, %mul3A_250 : i32
        %multiple_of3A = tpu.assume_multiple %mul3A_251, 8 : i32
        %add3A_252 = arith.constant 320000 : i32
        %add3A_253 = arith.addi %add3A_252, %multiple_of3A : i32
        %dma_start3A = tpu.memref_slice %arg3[%add3A_253] : memref<640000xi32, #tpu.memory_space<hbm>> -> memref<64xi32, #tpu.memory_space<hbm>>
        %dma_start3A_254 = tpu.memref_slice %arg3[%add3A_253] : memref<640000xi32, #tpu.memory_space<hbm>> -> memref<64xi32, #tpu.memory_space<hbm>>
        tpu.enqueue_dma source(%dma_start3A_254 : memref<64xi32, #tpu.memory_space<hbm>>) target(%arg11 : memref<64xi32, #tpu.memory_space<vmem>>) target_semaphore(%arg24 : memref<!tpu.dma_semaphore, #tpu.memory_space<semaphore_mem>>)
        %mul3A_255 = arith.constant 32 : i32
        %mul3A_256 = arith.muli %add3A_152, %mul3A_255 : i32
        %add3A_257 = arith.addi %mul3A_256, %add3A : i32
        %mul3A_258 = arith.constant 64 : i32
        %mul3A_259 = arith.muli %add3A_257, %mul3A_258 : i32
        %multiple_of3A_260 = tpu.assume_multiple %mul3A_259, 8 : i32
        %dma_start3A_261 = arith.constant 0 : i32
        %dma_start3A_262 = tpu.memref_slice %arg2[%multiple_of3A_260, %dma_start3A_261] : memref<320000x128xf32, #tpu.memory_space<hbm>> -> memref<64x128xf32, #tpu.memory_space<hbm>>
        %dma_start3A_263 = arith.constant 0 : i32
        %dma_start3A_264 = tpu.memref_slice %arg2[%multiple_of3A_260, %dma_start3A_263] : memref<320000x128xf32, #tpu.memory_space<hbm>> -> memref<64x128xf32, #tpu.memory_space<hbm>>
        tpu.enqueue_dma source(%dma_start3A_264 : memref<64x128xf32, #tpu.memory_space<hbm>>) target(%arg17 : memref<64x128xf32, #tpu.memory_space<vmem>>) target_semaphore(%arg24 : memref<!tpu.dma_semaphore, #tpu.memory_space<semaphore_mem>>)
      } else {
      }
      %mul3A_161 = arith.constant 32 : i32
      %mul3A_162 = arith.muli %add3A_150, %mul3A_161 : i32
      %add3A_163 = arith.addi %mul3A_162, %add3A : i32
      %lt3A_164 = arith.constant 5000 : i32
      %lt3A_165 = arith.cmpi slt, %add3A_163, %lt3A_164 : i32
      %convert_element_type3A_166 = arith.extui %lt3A_165 : i1 to i32
      %cond3A_167 = arith.constant 0 : i32
      %cond3A_168 = arith.cmpi ne, %convert_element_type3A_166, %cond3A_167 : i32
      scf.if %cond3A_168 {
        %mul3A_235 = arith.constant 32 : i32
        %mul3A_236 = arith.muli %add3A_150, %mul3A_235 : i32
        %add3A_237 = arith.addi %mul3A_236, %add3A : i32
        %mul3A_238 = arith.constant 64 : i32
        %mul3A_239 = arith.muli %add3A_237, %mul3A_238 : i32
        %multiple_of3A = tpu.assume_multiple %mul3A_239, 8 : i32
        %add3A_240 = arith.constant 320000 : i32
        %add3A_241 = arith.addi %add3A_240, %multiple_of3A : i32
        %dma_wait3A = tpu.memref_slice %arg3[%add3A_241] : memref<640000xi32, #tpu.memory_space<hbm>> -> memref<64xi32, #tpu.memory_space<hbm>>
        %dma_wait3A_242 = tpu.memref_slice %arg3[%add3A_241] : memref<640000xi32, #tpu.memory_space<hbm>> -> memref<64xi32, #tpu.memory_space<hbm>>
        tpu.wait_dma2 semaphore(%arg22 : memref<!tpu.dma_semaphore, #tpu.memory_space<semaphore_mem>>) src(%dma_wait3A_242 : memref<64xi32, #tpu.memory_space<hbm>>) dst(%arg9 : memref<64xi32, #tpu.memory_space<vmem>>)
        %mul3A_243 = arith.constant 32 : i32
        %mul3A_244 = arith.muli %add3A_150, %mul3A_243 : i32
        %add3A_245 = arith.addi %mul3A_244, %add3A : i32
        %mul3A_246 = arith.constant 64 : i32
        %mul3A_247 = arith.muli %add3A_245, %mul3A_246 : i32
        %multiple_of3A_248 = tpu.assume_multiple %mul3A_247, 8 : i32
        %dma_wait3A_249 = arith.constant 0 : i32
        %dma_wait3A_250 = tpu.memref_slice %arg2[%multiple_of3A_248, %dma_wait3A_249] : memref<320000x128xf32, #tpu.memory_space<hbm>> -> memref<64x128xf32, #tpu.memory_space<hbm>>
        %dma_wait3A_251 = arith.constant 0 : i32
        %dma_wait3A_252 = tpu.memref_slice %arg2[%multiple_of3A_248, %dma_wait3A_251] : memref<320000x128xf32, #tpu.memory_space<hbm>> -> memref<64x128xf32, #tpu.memory_space<hbm>>
        tpu.wait_dma2 semaphore(%arg22 : memref<!tpu.dma_semaphore, #tpu.memory_space<semaphore_mem>>) src(%dma_wait3A_252 : memref<64x128xf32, #tpu.memory_space<hbm>>) dst(%arg15 : memref<64x128xf32, #tpu.memory_space<vmem>>)
        %mul3A_253 = arith.constant 32 : i32
        %mul3A_254 = arith.muli %add3A_150, %mul3A_253 : i32
        %add3A_255 = arith.addi %mul3A_254, %add3A : i32
        %mul3A_256 = arith.constant 64 : i32
        %mul3A_257 = arith.muli %add3A_255, %mul3A_256 : i32
        %multiple_of3A_258 = tpu.assume_multiple %mul3A_257, 8 : i32
        %dma_start3A = arith.constant 0 : i32
        %dma_start3A_259 = tpu.memref_slice %arg6[%multiple_of3A_258, %dma_start3A] : memref<320000x128xf32, #tpu.memory_space<hbm>> -> memref<64x128xf32, #tpu.memory_space<hbm>>
        %dma_start3A_260 = arith.constant 0 : i32
        %dma_start3A_261 = tpu.memref_slice %arg6[%multiple_of3A_258, %dma_start3A_260] : memref<320000x128xf32, #tpu.memory_space<hbm>> -> memref<64x128xf32, #tpu.memory_space<hbm>>
        tpu.enqueue_dma source(%arg15 : memref<64x128xf32, #tpu.memory_space<vmem>>) target(%dma_start3A_261 : memref<64x128xf32, #tpu.memory_space<hbm>>) target_semaphore(%arg28 : memref<!tpu.dma_semaphore, #tpu.memory_space<semaphore_mem>>)
        %dma_start3A_262 = arith.constant 0 : i32
        %dma_start3A_263 = arith.constant 0 : i32
        %dma_start3A_264 = tpu.memref_slice %arg19[%dma_start3A_262, %dma_start3A_263] : memref<10112x128xf32, #tpu.memory_space<vmem_shared>> -> memref<10112x128xf32, #tpu.memory_space<vmem_shared>>
        tpu.enqueue_indirect_dma source(%arg15 : memref<64x128xf32, #tpu.memory_space<vmem>>) target(%dma_start3A_264 : memref<10112x128xf32, #tpu.memory_space<vmem_shared>>) offsets(%arg9 : memref<64xi32, #tpu.memory_space<vmem>>) semaphore(%arg34 : memref<!tpu.dma_semaphore, #tpu.memory_space<semaphore_mem>>) {add = true}
      } else {
      }
      %mul3A_169 = arith.constant 6 : i32
      %mul3A_170 = arith.muli %mul3A_169, %scan3A_102 : i32
      %add3A_171 = arith.constant 3 : i32
      %add3A_172 = arith.addi %mul3A_170, %add3A_171 : i32
      %add3A_173 = arith.constant 2 : i32
      %add3A_174 = arith.addi %add3A_172, %add3A_173 : i32
      %mul3A_175 = arith.constant 32 : i32
      %mul3A_176 = arith.muli %add3A_174, %mul3A_175 : i32
      %add3A_177 = arith.addi %mul3A_176, %add3A : i32
      %lt3A_178 = arith.constant 5000 : i32
      %lt3A_179 = arith.cmpi slt, %add3A_177, %lt3A_178 : i32
      %convert_element_type3A_180 = arith.extui %lt3A_179 : i1 to i32
      %cond3A_181 = arith.constant 0 : i32
      %cond3A_182 = arith.cmpi ne, %convert_element_type3A_180, %cond3A_181 : i32
      scf.if %cond3A_182 {
        %ge3A_235 = arith.constant 6 : i32
        %ge3A_236 = arith.cmpi sge, %add3A_174, %ge3A_235 : i32
        %sub3A = arith.constant 6 : i32
        %sub3A_237 = arith.subi %add3A_174, %sub3A : i32
        %mul3A_238 = arith.constant 32 : i32
        %mul3A_239 = arith.muli %sub3A_237, %mul3A_238 : i32
        %add3A_240 = arith.addi %mul3A_239, %add3A : i32
        %lt3A_241 = arith.constant 5000 : i32
        %lt3A_242 = arith.cmpi slt, %add3A_240, %lt3A_241 : i32
        %and3A_243 = arith.andi %ge3A_236, %lt3A_242 : i1
        %convert_element_type3A_244 = arith.extui %and3A_243 : i1 to i32
        %cond3A_245 = arith.constant 0 : i32
        %cond3A_246 = arith.cmpi ne, %convert_element_type3A_244, %cond3A_245 : i32
        scf.if %cond3A_246 {
          %dma_wait3A = arith.constant 0 : i32
          %dma_wait3A_265 = arith.constant 0 : i32
          %dma_wait3A_266 = tpu.memref_slice %arg19[%dma_wait3A, %dma_wait3A_265] : memref<10112x128xf32, #tpu.memory_space<vmem_shared>> -> memref<10112x128xf32, #tpu.memory_space<vmem_shared>>
          tpu.wait_indirect_dma semaphore(%arg37 : memref<!tpu.dma_semaphore, #tpu.memory_space<semaphore_mem>>) src(%arg18 : memref<64x128xf32, #tpu.memory_space<vmem>>) dst(%dma_wait3A_266 : memref<10112x128xf32, #tpu.memory_space<vmem_shared>>)
          %sub3A_267 = arith.constant 6 : i32
          %sub3A_268 = arith.subi %add3A_174, %sub3A_267 : i32
          %mul3A_269 = arith.constant 32 : i32
          %mul3A_270 = arith.muli %sub3A_268, %mul3A_269 : i32
          %add3A_271 = arith.addi %mul3A_270, %add3A : i32
          %mul3A_272 = arith.constant 64 : i32
          %mul3A_273 = arith.muli %add3A_271, %mul3A_272 : i32
          %multiple_of3A_274 = tpu.assume_multiple %mul3A_273, 8 : i32
          %dma_wait3A_275 = arith.constant 0 : i32
          %dma_wait3A_276 = tpu.memref_slice %arg6[%multiple_of3A_274, %dma_wait3A_275] : memref<320000x128xf32, #tpu.memory_space<hbm>> -> memref<64x128xf32, #tpu.memory_space<hbm>>
          %dma_wait3A_277 = arith.constant 0 : i32
          %dma_wait3A_278 = tpu.memref_slice %arg6[%multiple_of3A_274, %dma_wait3A_277] : memref<320000x128xf32, #tpu.memory_space<hbm>> -> memref<64x128xf32, #tpu.memory_space<hbm>>
          tpu.wait_dma2 semaphore(%arg31 : memref<!tpu.dma_semaphore, #tpu.memory_space<semaphore_mem>>) src(%arg18 : memref<64x128xf32, #tpu.memory_space<vmem>>) dst(%dma_wait3A_278 : memref<64x128xf32, #tpu.memory_space<hbm>>)
        } else {
        }
        %mul3A_247 = arith.constant 32 : i32
        %mul3A_248 = arith.muli %add3A_174, %mul3A_247 : i32
        %add3A_249 = arith.addi %mul3A_248, %add3A : i32
        %mul3A_250 = arith.constant 64 : i32
        %mul3A_251 = arith.muli %add3A_249, %mul3A_250 : i32
        %multiple_of3A = tpu.assume_multiple %mul3A_251, 8 : i32
        %add3A_252 = arith.constant 320000 : i32
        %add3A_253 = arith.addi %add3A_252, %multiple_of3A : i32
        %dma_start3A = tpu.memref_slice %arg3[%add3A_253] : memref<640000xi32, #tpu.memory_space<hbm>> -> memref<64xi32, #tpu.memory_space<hbm>>
        %dma_start3A_254 = tpu.memref_slice %arg3[%add3A_253] : memref<640000xi32, #tpu.memory_space<hbm>> -> memref<64xi32, #tpu.memory_space<hbm>>
        tpu.enqueue_dma source(%dma_start3A_254 : memref<64xi32, #tpu.memory_space<hbm>>) target(%arg12 : memref<64xi32, #tpu.memory_space<vmem>>) target_semaphore(%arg25 : memref<!tpu.dma_semaphore, #tpu.memory_space<semaphore_mem>>)
        %mul3A_255 = arith.constant 32 : i32
        %mul3A_256 = arith.muli %add3A_174, %mul3A_255 : i32
        %add3A_257 = arith.addi %mul3A_256, %add3A : i32
        %mul3A_258 = arith.constant 64 : i32
        %mul3A_259 = arith.muli %add3A_257, %mul3A_258 : i32
        %multiple_of3A_260 = tpu.assume_multiple %mul3A_259, 8 : i32
        %dma_start3A_261 = arith.constant 0 : i32
        %dma_start3A_262 = tpu.memref_slice %arg2[%multiple_of3A_260, %dma_start3A_261] : memref<320000x128xf32, #tpu.memory_space<hbm>> -> memref<64x128xf32, #tpu.memory_space<hbm>>
        %dma_start3A_263 = arith.constant 0 : i32
        %dma_start3A_264 = tpu.memref_slice %arg2[%multiple_of3A_260, %dma_start3A_263] : memref<320000x128xf32, #tpu.memory_space<hbm>> -> memref<64x128xf32, #tpu.memory_space<hbm>>
        tpu.enqueue_dma source(%dma_start3A_264 : memref<64x128xf32, #tpu.memory_space<hbm>>) target(%arg18 : memref<64x128xf32, #tpu.memory_space<vmem>>) target_semaphore(%arg25 : memref<!tpu.dma_semaphore, #tpu.memory_space<semaphore_mem>>)
      } else {
      }
      %mul3A_183 = arith.constant 32 : i32
      %mul3A_184 = arith.muli %add3A_172, %mul3A_183 : i32
      %add3A_185 = arith.addi %mul3A_184, %add3A : i32
      %lt3A_186 = arith.constant 5000 : i32
      %lt3A_187 = arith.cmpi slt, %add3A_185, %lt3A_186 : i32
      %convert_element_type3A_188 = arith.extui %lt3A_187 : i1 to i32
      %cond3A_189 = arith.constant 0 : i32
      %cond3A_190 = arith.cmpi ne, %convert_element_type3A_188, %cond3A_189 : i32
      scf.if %cond3A_190 {
        %mul3A_235 = arith.constant 32 : i32
        %mul3A_236 = arith.muli %add3A_172, %mul3A_235 : i32
        %add3A_237 = arith.addi %mul3A_236, %add3A : i32
        %mul3A_238 = arith.constant 64 : i32
        %mul3A_239 = arith.muli %add3A_237, %mul3A_238 : i32
        %multiple_of3A = tpu.assume_multiple %mul3A_239, 8 : i32
        %add3A_240 = arith.constant 320000 : i32
        %add3A_241 = arith.addi %add3A_240, %multiple_of3A : i32
        %dma_wait3A = tpu.memref_slice %arg3[%add3A_241] : memref<640000xi32, #tpu.memory_space<hbm>> -> memref<64xi32, #tpu.memory_space<hbm>>
        %dma_wait3A_242 = tpu.memref_slice %arg3[%add3A_241] : memref<640000xi32, #tpu.memory_space<hbm>> -> memref<64xi32, #tpu.memory_space<hbm>>
        tpu.wait_dma2 semaphore(%arg23 : memref<!tpu.dma_semaphore, #tpu.memory_space<semaphore_mem>>) src(%dma_wait3A_242 : memref<64xi32, #tpu.memory_space<hbm>>) dst(%arg10 : memref<64xi32, #tpu.memory_space<vmem>>)
        %mul3A_243 = arith.constant 32 : i32
        %mul3A_244 = arith.muli %add3A_172, %mul3A_243 : i32
        %add3A_245 = arith.addi %mul3A_244, %add3A : i32
        %mul3A_246 = arith.constant 64 : i32
        %mul3A_247 = arith.muli %add3A_245, %mul3A_246 : i32
        %multiple_of3A_248 = tpu.assume_multiple %mul3A_247, 8 : i32
        %dma_wait3A_249 = arith.constant 0 : i32
        %dma_wait3A_250 = tpu.memref_slice %arg2[%multiple_of3A_248, %dma_wait3A_249] : memref<320000x128xf32, #tpu.memory_space<hbm>> -> memref<64x128xf32, #tpu.memory_space<hbm>>
        %dma_wait3A_251 = arith.constant 0 : i32
        %dma_wait3A_252 = tpu.memref_slice %arg2[%multiple_of3A_248, %dma_wait3A_251] : memref<320000x128xf32, #tpu.memory_space<hbm>> -> memref<64x128xf32, #tpu.memory_space<hbm>>
        tpu.wait_dma2 semaphore(%arg23 : memref<!tpu.dma_semaphore, #tpu.memory_space<semaphore_mem>>) src(%dma_wait3A_252 : memref<64x128xf32, #tpu.memory_space<hbm>>) dst(%arg16 : memref<64x128xf32, #tpu.memory_space<vmem>>)
        %mul3A_253 = arith.constant 32 : i32
        %mul3A_254 = arith.muli %add3A_172, %mul3A_253 : i32
        %add3A_255 = arith.addi %mul3A_254, %add3A : i32
        %mul3A_256 = arith.constant 64 : i32
        %mul3A_257 = arith.muli %add3A_255, %mul3A_256 : i32
        %multiple_of3A_258 = tpu.assume_multiple %mul3A_257, 8 : i32
        %dma_start3A = arith.constant 0 : i32
        %dma_start3A_259 = tpu.memref_slice %arg6[%multiple_of3A_258, %dma_start3A] : memref<320000x128xf32, #tpu.memory_space<hbm>> -> memref<64x128xf32, #tpu.memory_space<hbm>>
        %dma_start3A_260 = arith.constant 0 : i32
        %dma_start3A_261 = tpu.memref_slice %arg6[%multiple_of3A_258, %dma_start3A_260] : memref<320000x128xf32, #tpu.memory_space<hbm>> -> memref<64x128xf32, #tpu.memory_space<hbm>>
        tpu.enqueue_dma source(%arg16 : memref<64x128xf32, #tpu.memory_space<vmem>>) target(%dma_start3A_261 : memref<64x128xf32, #tpu.memory_space<hbm>>) target_semaphore(%arg29 : memref<!tpu.dma_semaphore, #tpu.memory_space<semaphore_mem>>)
        %dma_start3A_262 = arith.constant 0 : i32
        %dma_start3A_263 = arith.constant 0 : i32
        %dma_start3A_264 = tpu.memref_slice %arg19[%dma_start3A_262, %dma_start3A_263] : memref<10112x128xf32, #tpu.memory_space<vmem_shared>> -> memref<10112x128xf32, #tpu.memory_space<vmem_shared>>
        tpu.enqueue_indirect_dma source(%arg16 : memref<64x128xf32, #tpu.memory_space<vmem>>) target(%dma_start3A_264 : memref<10112x128xf32, #tpu.memory_space<vmem_shared>>) offsets(%arg10 : memref<64xi32, #tpu.memory_space<vmem>>) semaphore(%arg35 : memref<!tpu.dma_semaphore, #tpu.memory_space<semaphore_mem>>) {add = true}
      } else {
      }
      %mul3A_191 = arith.constant 6 : i32
      %mul3A_192 = arith.muli %mul3A_191, %scan3A_102 : i32
      %add3A_193 = arith.constant 4 : i32
      %add3A_194 = arith.addi %mul3A_192, %add3A_193 : i32
      %add3A_195 = arith.constant 2 : i32
      %add3A_196 = arith.addi %add3A_194, %add3A_195 : i32
      %mul3A_197 = arith.constant 32 : i32
      %mul3A_198 = arith.muli %add3A_196, %mul3A_197 : i32
      %add3A_199 = arith.addi %mul3A_198, %add3A : i32
      %lt3A_200 = arith.constant 5000 : i32
      %lt3A_201 = arith.cmpi slt, %add3A_199, %lt3A_200 : i32
      %convert_element_type3A_202 = arith.extui %lt3A_201 : i1 to i32
      %cond3A_203 = arith.constant 0 : i32
      %cond3A_204 = arith.cmpi ne, %convert_element_type3A_202, %cond3A_203 : i32
      scf.if %cond3A_204 {
        %ge3A_235 = arith.constant 6 : i32
        %ge3A_236 = arith.cmpi sge, %add3A_196, %ge3A_235 : i32
        %sub3A = arith.constant 6 : i32
        %sub3A_237 = arith.subi %add3A_196, %sub3A : i32
        %mul3A_238 = arith.constant 32 : i32
        %mul3A_239 = arith.muli %sub3A_237, %mul3A_238 : i32
        %add3A_240 = arith.addi %mul3A_239, %add3A : i32
        %lt3A_241 = arith.constant 5000 : i32
        %lt3A_242 = arith.cmpi slt, %add3A_240, %lt3A_241 : i32
        %and3A_243 = arith.andi %ge3A_236, %lt3A_242 : i1
        %convert_element_type3A_244 = arith.extui %and3A_243 : i1 to i32
        %cond3A_245 = arith.constant 0 : i32
        %cond3A_246 = arith.cmpi ne, %convert_element_type3A_244, %cond3A_245 : i32
        scf.if %cond3A_246 {
          %dma_wait3A = arith.constant 0 : i32
          %dma_wait3A_265 = arith.constant 0 : i32
          %dma_wait3A_266 = tpu.memref_slice %arg19[%dma_wait3A, %dma_wait3A_265] : memref<10112x128xf32, #tpu.memory_space<vmem_shared>> -> memref<10112x128xf32, #tpu.memory_space<vmem_shared>>
          tpu.wait_indirect_dma semaphore(%arg32 : memref<!tpu.dma_semaphore, #tpu.memory_space<semaphore_mem>>) src(%arg13 : memref<64x128xf32, #tpu.memory_space<vmem>>) dst(%dma_wait3A_266 : memref<10112x128xf32, #tpu.memory_space<vmem_shared>>)
          %sub3A_267 = arith.constant 6 : i32
          %sub3A_268 = arith.subi %add3A_196, %sub3A_267 : i32
          %mul3A_269 = arith.constant 32 : i32
          %mul3A_270 = arith.muli %sub3A_268, %mul3A_269 : i32
          %add3A_271 = arith.addi %mul3A_270, %add3A : i32
          %mul3A_272 = arith.constant 64 : i32
          %mul3A_273 = arith.muli %add3A_271, %mul3A_272 : i32
          %multiple_of3A_274 = tpu.assume_multiple %mul3A_273, 8 : i32
          %dma_wait3A_275 = arith.constant 0 : i32
          %dma_wait3A_276 = tpu.memref_slice %arg6[%multiple_of3A_274, %dma_wait3A_275] : memref<320000x128xf32, #tpu.memory_space<hbm>> -> memref<64x128xf32, #tpu.memory_space<hbm>>
          %dma_wait3A_277 = arith.constant 0 : i32
          %dma_wait3A_278 = tpu.memref_slice %arg6[%multiple_of3A_274, %dma_wait3A_277] : memref<320000x128xf32, #tpu.memory_space<hbm>> -> memref<64x128xf32, #tpu.memory_space<hbm>>
          tpu.wait_dma2 semaphore(%arg26 : memref<!tpu.dma_semaphore, #tpu.memory_space<semaphore_mem>>) src(%arg13 : memref<64x128xf32, #tpu.memory_space<vmem>>) dst(%dma_wait3A_278 : memref<64x128xf32, #tpu.memory_space<hbm>>)
        } else {
        }
        %mul3A_247 = arith.constant 32 : i32
        %mul3A_248 = arith.muli %add3A_196, %mul3A_247 : i32
        %add3A_249 = arith.addi %mul3A_248, %add3A : i32
        %mul3A_250 = arith.constant 64 : i32
        %mul3A_251 = arith.muli %add3A_249, %mul3A_250 : i32
        %multiple_of3A = tpu.assume_multiple %mul3A_251, 8 : i32
        %add3A_252 = arith.constant 320000 : i32
        %add3A_253 = arith.addi %add3A_252, %multiple_of3A : i32
        %dma_start3A = tpu.memref_slice %arg3[%add3A_253] : memref<640000xi32, #tpu.memory_space<hbm>> -> memref<64xi32, #tpu.memory_space<hbm>>
        %dma_start3A_254 = tpu.memref_slice %arg3[%add3A_253] : memref<640000xi32, #tpu.memory_space<hbm>> -> memref<64xi32, #tpu.memory_space<hbm>>
        tpu.enqueue_dma source(%dma_start3A_254 : memref<64xi32, #tpu.memory_space<hbm>>) target(%arg7 : memref<64xi32, #tpu.memory_space<vmem>>) target_semaphore(%arg20 : memref<!tpu.dma_semaphore, #tpu.memory_space<semaphore_mem>>)
        %mul3A_255 = arith.constant 32 : i32
        %mul3A_256 = arith.muli %add3A_196, %mul3A_255 : i32
        %add3A_257 = arith.addi %mul3A_256, %add3A : i32
        %mul3A_258 = arith.constant 64 : i32
        %mul3A_259 = arith.muli %add3A_257, %mul3A_258 : i32
        %multiple_of3A_260 = tpu.assume_multiple %mul3A_259, 8 : i32
        %dma_start3A_261 = arith.constant 0 : i32
        %dma_start3A_262 = tpu.memref_slice %arg2[%multiple_of3A_260, %dma_start3A_261] : memref<320000x128xf32, #tpu.memory_space<hbm>> -> memref<64x128xf32, #tpu.memory_space<hbm>>
        %dma_start3A_263 = arith.constant 0 : i32
        %dma_start3A_264 = tpu.memref_slice %arg2[%multiple_of3A_260, %dma_start3A_263] : memref<320000x128xf32, #tpu.memory_space<hbm>> -> memref<64x128xf32, #tpu.memory_space<hbm>>
        tpu.enqueue_dma source(%dma_start3A_264 : memref<64x128xf32, #tpu.memory_space<hbm>>) target(%arg13 : memref<64x128xf32, #tpu.memory_space<vmem>>) target_semaphore(%arg20 : memref<!tpu.dma_semaphore, #tpu.memory_space<semaphore_mem>>)
      } else {
      }
      %mul3A_205 = arith.constant 32 : i32
      %mul3A_206 = arith.muli %add3A_194, %mul3A_205 : i32
      %add3A_207 = arith.addi %mul3A_206, %add3A : i32
      %lt3A_208 = arith.constant 5000 : i32
      %lt3A_209 = arith.cmpi slt, %add3A_207, %lt3A_208 : i32
      %convert_element_type3A_210 = arith.extui %lt3A_209 : i1 to i32
      %cond3A_211 = arith.constant 0 : i32
      %cond3A_212 = arith.cmpi ne, %convert_element_type3A_210, %cond3A_211 : i32
      scf.if %cond3A_212 {
        %mul3A_235 = arith.constant 32 : i32
        %mul3A_236 = arith.muli %add3A_194, %mul3A_235 : i32
        %add3A_237 = arith.addi %mul3A_236, %add3A : i32
        %mul3A_238 = arith.constant 64 : i32
        %mul3A_239 = arith.muli %add3A_237, %mul3A_238 : i32
        %multiple_of3A = tpu.assume_multiple %mul3A_239, 8 : i32
        %add3A_240 = arith.constant 320000 : i32
        %add3A_241 = arith.addi %add3A_240, %multiple_of3A : i32
        %dma_wait3A = tpu.memref_slice %arg3[%add3A_241] : memref<640000xi32, #tpu.memory_space<hbm>> -> memref<64xi32, #tpu.memory_space<hbm>>
        %dma_wait3A_242 = tpu.memref_slice %arg3[%add3A_241] : memref<640000xi32, #tpu.memory_space<hbm>> -> memref<64xi32, #tpu.memory_space<hbm>>
        tpu.wait_dma2 semaphore(%arg24 : memref<!tpu.dma_semaphore, #tpu.memory_space<semaphore_mem>>) src(%dma_wait3A_242 : memref<64xi32, #tpu.memory_space<hbm>>) dst(%arg11 : memref<64xi32, #tpu.memory_space<vmem>>)
        %mul3A_243 = arith.constant 32 : i32
        %mul3A_244 = arith.muli %add3A_194, %mul3A_243 : i32
        %add3A_245 = arith.addi %mul3A_244, %add3A : i32
        %mul3A_246 = arith.constant 64 : i32
        %mul3A_247 = arith.muli %add3A_245, %mul3A_246 : i32
        %multiple_of3A_248 = tpu.assume_multiple %mul3A_247, 8 : i32
        %dma_wait3A_249 = arith.constant 0 : i32
        %dma_wait3A_250 = tpu.memref_slice %arg2[%multiple_of3A_248, %dma_wait3A_249] : memref<320000x128xf32, #tpu.memory_space<hbm>> -> memref<64x128xf32, #tpu.memory_space<hbm>>
        %dma_wait3A_251 = arith.constant 0 : i32
        %dma_wait3A_252 = tpu.memref_slice %arg2[%multiple_of3A_248, %dma_wait3A_251] : memref<320000x128xf32, #tpu.memory_space<hbm>> -> memref<64x128xf32, #tpu.memory_space<hbm>>
        tpu.wait_dma2 semaphore(%arg24 : memref<!tpu.dma_semaphore, #tpu.memory_space<semaphore_mem>>) src(%dma_wait3A_252 : memref<64x128xf32, #tpu.memory_space<hbm>>) dst(%arg17 : memref<64x128xf32, #tpu.memory_space<vmem>>)
        %mul3A_253 = arith.constant 32 : i32
        %mul3A_254 = arith.muli %add3A_194, %mul3A_253 : i32
        %add3A_255 = arith.addi %mul3A_254, %add3A : i32
        %mul3A_256 = arith.constant 64 : i32
        %mul3A_257 = arith.muli %add3A_255, %mul3A_256 : i32
        %multiple_of3A_258 = tpu.assume_multiple %mul3A_257, 8 : i32
        %dma_start3A = arith.constant 0 : i32
        %dma_start3A_259 = tpu.memref_slice %arg6[%multiple_of3A_258, %dma_start3A] : memref<320000x128xf32, #tpu.memory_space<hbm>> -> memref<64x128xf32, #tpu.memory_space<hbm>>
        %dma_start3A_260 = arith.constant 0 : i32
        %dma_start3A_261 = tpu.memref_slice %arg6[%multiple_of3A_258, %dma_start3A_260] : memref<320000x128xf32, #tpu.memory_space<hbm>> -> memref<64x128xf32, #tpu.memory_space<hbm>>
        tpu.enqueue_dma source(%arg17 : memref<64x128xf32, #tpu.memory_space<vmem>>) target(%dma_start3A_261 : memref<64x128xf32, #tpu.memory_space<hbm>>) target_semaphore(%arg30 : memref<!tpu.dma_semaphore, #tpu.memory_space<semaphore_mem>>)
        %dma_start3A_262 = arith.constant 0 : i32
        %dma_start3A_263 = arith.constant 0 : i32
        %dma_start3A_264 = tpu.memref_slice %arg19[%dma_start3A_262, %dma_start3A_263] : memref<10112x128xf32, #tpu.memory_space<vmem_shared>> -> memref<10112x128xf32, #tpu.memory_space<vmem_shared>>
        tpu.enqueue_indirect_dma source(%arg17 : memref<64x128xf32, #tpu.memory_space<vmem>>) target(%dma_start3A_264 : memref<10112x128xf32, #tpu.memory_space<vmem_shared>>) offsets(%arg11 : memref<64xi32, #tpu.memory_space<vmem>>) semaphore(%arg36 : memref<!tpu.dma_semaphore, #tpu.memory_space<semaphore_mem>>) {add = true}
      } else {
      }
      %mul3A_213 = arith.constant 6 : i32
      %mul3A_214 = arith.muli %mul3A_213, %scan3A_102 : i32
      %add3A_215 = arith.constant 5 : i32
      %add3A_216 = arith.addi %mul3A_214, %add3A_215 : i32
      %add3A_217 = arith.constant 2 : i32
      %add3A_218 = arith.addi %add3A_216, %add3A_217 : i32
      %mul3A_219 = arith.constant 32 : i32
      %mul3A_220 = arith.muli %add3A_218, %mul3A_219 : i32
      %add3A_221 = arith.addi %mul3A_220, %add3A : i32
      %lt3A_222 = arith.constant 5000 : i32
      %lt3A_223 = arith.cmpi slt, %add3A_221, %lt3A_222 : i32
      %convert_element_type3A_224 = arith.extui %lt3A_223 : i1 to i32
      %cond3A_225 = arith.constant 0 : i32
      %cond3A_226 = arith.cmpi ne, %convert_element_type3A_224, %cond3A_225 : i32
      scf.if %cond3A_226 {
        %ge3A_235 = arith.constant 6 : i32
        %ge3A_236 = arith.cmpi sge, %add3A_218, %ge3A_235 : i32
        %sub3A = arith.constant 6 : i32
        %sub3A_237 = arith.subi %add3A_218, %sub3A : i32
        %mul3A_238 = arith.constant 32 : i32
        %mul3A_239 = arith.muli %sub3A_237, %mul3A_238 : i32
        %add3A_240 = arith.addi %mul3A_239, %add3A : i32
        %lt3A_241 = arith.constant 5000 : i32
        %lt3A_242 = arith.cmpi slt, %add3A_240, %lt3A_241 : i32
        %and3A_243 = arith.andi %ge3A_236, %lt3A_242 : i1
        %convert_element_type3A_244 = arith.extui %and3A_243 : i1 to i32
        %cond3A_245 = arith.constant 0 : i32
        %cond3A_246 = arith.cmpi ne, %convert_element_type3A_244, %cond3A_245 : i32
        scf.if %cond3A_246 {
          %dma_wait3A = arith.constant 0 : i32
          %dma_wait3A_265 = arith.constant 0 : i32
          %dma_wait3A_266 = tpu.memref_slice %arg19[%dma_wait3A, %dma_wait3A_265] : memref<10112x128xf32, #tpu.memory_space<vmem_shared>> -> memref<10112x128xf32, #tpu.memory_space<vmem_shared>>
          tpu.wait_indirect_dma semaphore(%arg33 : memref<!tpu.dma_semaphore, #tpu.memory_space<semaphore_mem>>) src(%arg14 : memref<64x128xf32, #tpu.memory_space<vmem>>) dst(%dma_wait3A_266 : memref<10112x128xf32, #tpu.memory_space<vmem_shared>>)
          %sub3A_267 = arith.constant 6 : i32
          %sub3A_268 = arith.subi %add3A_218, %sub3A_267 : i32
          %mul3A_269 = arith.constant 32 : i32
          %mul3A_270 = arith.muli %sub3A_268, %mul3A_269 : i32
          %add3A_271 = arith.addi %mul3A_270, %add3A : i32
          %mul3A_272 = arith.constant 64 : i32
          %mul3A_273 = arith.muli %add3A_271, %mul3A_272 : i32
          %multiple_of3A_274 = tpu.assume_multiple %mul3A_273, 8 : i32
          %dma_wait3A_275 = arith.constant 0 : i32
          %dma_wait3A_276 = tpu.memref_slice %arg6[%multiple_of3A_274, %dma_wait3A_275] : memref<320000x128xf32, #tpu.memory_space<hbm>> -> memref<64x128xf32, #tpu.memory_space<hbm>>
          %dma_wait3A_277 = arith.constant 0 : i32
          %dma_wait3A_278 = tpu.memref_slice %arg6[%multiple_of3A_274, %dma_wait3A_277] : memref<320000x128xf32, #tpu.memory_space<hbm>> -> memref<64x128xf32, #tpu.memory_space<hbm>>
          tpu.wait_dma2 semaphore(%arg27 : memref<!tpu.dma_semaphore, #tpu.memory_space<semaphore_mem>>) src(%arg14 : memref<64x128xf32, #tpu.memory_space<vmem>>) dst(%dma_wait3A_278 : memref<64x128xf32, #tpu.memory_space<hbm>>)
        } else {
        }
        %mul3A_247 = arith.constant 32 : i32
        %mul3A_248 = arith.muli %add3A_218, %mul3A_247 : i32
        %add3A_249 = arith.addi %mul3A_248, %add3A : i32
        %mul3A_250 = arith.constant 64 : i32
        %mul3A_251 = arith.muli %add3A_249, %mul3A_250 : i32
        %multiple_of3A = tpu.assume_multiple %mul3A_251, 8 : i32
        %add3A_252 = arith.constant 320000 : i32
        %add3A_253 = arith.addi %add3A_252, %multiple_of3A : i32
        %dma_start3A = tpu.memref_slice %arg3[%add3A_253] : memref<640000xi32, #tpu.memory_space<hbm>> -> memref<64xi32, #tpu.memory_space<hbm>>
        %dma_start3A_254 = tpu.memref_slice %arg3[%add3A_253] : memref<640000xi32, #tpu.memory_space<hbm>> -> memref<64xi32, #tpu.memory_space<hbm>>
        tpu.enqueue_dma source(%dma_start3A_254 : memref<64xi32, #tpu.memory_space<hbm>>) target(%arg8 : memref<64xi32, #tpu.memory_space<vmem>>) target_semaphore(%arg21 : memref<!tpu.dma_semaphore, #tpu.memory_space<semaphore_mem>>)
        %mul3A_255 = arith.constant 32 : i32
        %mul3A_256 = arith.muli %add3A_218, %mul3A_255 : i32
        %add3A_257 = arith.addi %mul3A_256, %add3A : i32
        %mul3A_258 = arith.constant 64 : i32
        %mul3A_259 = arith.muli %add3A_257, %mul3A_258 : i32
        %multiple_of3A_260 = tpu.assume_multiple %mul3A_259, 8 : i32
        %dma_start3A_261 = arith.constant 0 : i32
        %dma_start3A_262 = tpu.memref_slice %arg2[%multiple_of3A_260, %dma_start3A_261] : memref<320000x128xf32, #tpu.memory_space<hbm>> -> memref<64x128xf32, #tpu.memory_space<hbm>>
        %dma_start3A_263 = arith.constant 0 : i32
        %dma_start3A_264 = tpu.memref_slice %arg2[%multiple_of3A_260, %dma_start3A_263] : memref<320000x128xf32, #tpu.memory_space<hbm>> -> memref<64x128xf32, #tpu.memory_space<hbm>>
        tpu.enqueue_dma source(%dma_start3A_264 : memref<64x128xf32, #tpu.memory_space<hbm>>) target(%arg14 : memref<64x128xf32, #tpu.memory_space<vmem>>) target_semaphore(%arg21 : memref<!tpu.dma_semaphore, #tpu.memory_space<semaphore_mem>>)
      } else {
      }
      %mul3A_227 = arith.constant 32 : i32
      %mul3A_228 = arith.muli %add3A_216, %mul3A_227 : i32
      %add3A_229 = arith.addi %mul3A_228, %add3A : i32
      %lt3A_230 = arith.constant 5000 : i32
      %lt3A_231 = arith.cmpi slt, %add3A_229, %lt3A_230 : i32
      %convert_element_type3A_232 = arith.extui %lt3A_231 : i1 to i32
      %cond3A_233 = arith.constant 0 : i32
      %cond3A_234 = arith.cmpi ne, %convert_element_type3A_232, %cond3A_233 : i32
      scf.if %cond3A_234 {
        %mul3A_235 = arith.constant 32 : i32
        %mul3A_236 = arith.muli %add3A_216, %mul3A_235 : i32
        %add3A_237 = arith.addi %mul3A_236, %add3A : i32
        %mul3A_238 = arith.constant 64 : i32
        %mul3A_239 = arith.muli %add3A_237, %mul3A_238 : i32
        %multiple_of3A = tpu.assume_multiple %mul3A_239, 8 : i32
        %add3A_240 = arith.constant 320000 : i32
        %add3A_241 = arith.addi %add3A_240, %multiple_of3A : i32
        %dma_wait3A = tpu.memref_slice %arg3[%add3A_241] : memref<640000xi32, #tpu.memory_space<hbm>> -> memref<64xi32, #tpu.memory_space<hbm>>
        %dma_wait3A_242 = tpu.memref_slice %arg3[%add3A_241] : memref<640000xi32, #tpu.memory_space<hbm>> -> memref<64xi32, #tpu.memory_space<hbm>>
        tpu.wait_dma2 semaphore(%arg25 : memref<!tpu.dma_semaphore, #tpu.memory_space<semaphore_mem>>) src(%dma_wait3A_242 : memref<64xi32, #tpu.memory_space<hbm>>) dst(%arg12 : memref<64xi32, #tpu.memory_space<vmem>>)
        %mul3A_243 = arith.constant 32 : i32
        %mul3A_244 = arith.muli %add3A_216, %mul3A_243 : i32
        %add3A_245 = arith.addi %mul3A_244, %add3A : i32
        %mul3A_246 = arith.constant 64 : i32
        %mul3A_247 = arith.muli %add3A_245, %mul3A_246 : i32
        %multiple_of3A_248 = tpu.assume_multiple %mul3A_247, 8 : i32
        %dma_wait3A_249 = arith.constant 0 : i32
        %dma_wait3A_250 = tpu.memref_slice %arg2[%multiple_of3A_248, %dma_wait3A_249] : memref<320000x128xf32, #tpu.memory_space<hbm>> -> memref<64x128xf32, #tpu.memory_space<hbm>>
        %dma_wait3A_251 = arith.constant 0 : i32
        %dma_wait3A_252 = tpu.memref_slice %arg2[%multiple_of3A_248, %dma_wait3A_251] : memref<320000x128xf32, #tpu.memory_space<hbm>> -> memref<64x128xf32, #tpu.memory_space<hbm>>
        tpu.wait_dma2 semaphore(%arg25 : memref<!tpu.dma_semaphore, #tpu.memory_space<semaphore_mem>>) src(%dma_wait3A_252 : memref<64x128xf32, #tpu.memory_space<hbm>>) dst(%arg18 : memref<64x128xf32, #tpu.memory_space<vmem>>)
        %mul3A_253 = arith.constant 32 : i32
        %mul3A_254 = arith.muli %add3A_216, %mul3A_253 : i32
        %add3A_255 = arith.addi %mul3A_254, %add3A : i32
        %mul3A_256 = arith.constant 64 : i32
        %mul3A_257 = arith.muli %add3A_255, %mul3A_256 : i32
        %multiple_of3A_258 = tpu.assume_multiple %mul3A_257, 8 : i32
        %dma_start3A = arith.constant 0 : i32
        %dma_start3A_259 = tpu.memref_slice %arg6[%multiple_of3A_258, %dma_start3A] : memref<320000x128xf32, #tpu.memory_space<hbm>> -> memref<64x128xf32, #tpu.memory_space<hbm>>
        %dma_start3A_260 = arith.constant 0 : i32
        %dma_start3A_261 = tpu.memref_slice %arg6[%multiple_of3A_258, %dma_start3A_260] : memref<320000x128xf32, #tpu.memory_space<hbm>> -> memref<64x128xf32, #tpu.memory_space<hbm>>
        tpu.enqueue_dma source(%arg18 : memref<64x128xf32, #tpu.memory_space<vmem>>) target(%dma_start3A_261 : memref<64x128xf32, #tpu.memory_space<hbm>>) target_semaphore(%arg31 : memref<!tpu.dma_semaphore, #tpu.memory_space<semaphore_mem>>)
        %dma_start3A_262 = arith.constant 0 : i32
        %dma_start3A_263 = arith.constant 0 : i32
        %dma_start3A_264 = tpu.memref_slice %arg19[%dma_start3A_262, %dma_start3A_263] : memref<10112x128xf32, #tpu.memory_space<vmem_shared>> -> memref<10112x128xf32, #tpu.memory_space<vmem_shared>>
        tpu.enqueue_indirect_dma source(%arg18 : memref<64x128xf32, #tpu.memory_space<vmem>>) target(%dma_start3A_264 : memref<10112x128xf32, #tpu.memory_space<vmem_shared>>) offsets(%arg12 : memref<64xi32, #tpu.memory_space<vmem>>) semaphore(%arg37 : memref<!tpu.dma_semaphore, #tpu.memory_space<semaphore_mem>>) {add = true}
      } else {
      }
    }
    %scan3A_18 = arith.constant 27 : i32
    %add3A_19 = arith.constant 4800 : i32
    %add3A_20 = arith.addi %add3A_19, %add3A : i32
    %lt3A_21 = arith.constant 5000 : i32
    %lt3A_22 = arith.cmpi slt, %add3A_20, %lt3A_21 : i32
    %add3A_23 = arith.constant 4992 : i32
    %add3A_24 = arith.addi %add3A_23, %add3A : i32
    %ge3A = arith.constant 5000 : i32
    %ge3A_25 = arith.cmpi sge, %add3A_24, %ge3A : i32
    %and3A = arith.andi %lt3A_22, %ge3A_25 : i1
    %convert_element_type3A_26 = arith.extui %and3A : i1 to i32
    %cond3A_27 = arith.constant 0 : i32
    %cond3A_28 = arith.cmpi ne, %convert_element_type3A_26, %cond3A_27 : i32
    scf.if %cond3A_28 {
      %dma_wait3A = arith.constant 0 : i32
      %dma_wait3A_102 = arith.constant 0 : i32
      %dma_wait3A_103 = tpu.memref_slice %arg19[%dma_wait3A, %dma_wait3A_102] : memref<10112x128xf32, #tpu.memory_space<vmem_shared>> -> memref<10112x128xf32, #tpu.memory_space<vmem_shared>>
      tpu.wait_indirect_dma semaphore(%arg32 : memref<!tpu.dma_semaphore, #tpu.memory_space<semaphore_mem>>) src(%arg13 : memref<64x128xf32, #tpu.memory_space<vmem>>) dst(%dma_wait3A_103 : memref<10112x128xf32, #tpu.memory_space<vmem_shared>>)
      %add3A_104 = arith.constant 4800 : i32
      %add3A_105 = arith.addi %add3A_104, %add3A : i32
      %mul3A_106 = arith.constant 64 : i32
      %mul3A_107 = arith.muli %add3A_105, %mul3A_106 : i32
      %multiple_of3A = tpu.assume_multiple %mul3A_107, 8 : i32
      %dma_wait3A_108 = arith.constant 0 : i32
      %dma_wait3A_109 = tpu.memref_slice %arg6[%multiple_of3A, %dma_wait3A_108] : memref<320000x128xf32, #tpu.memory_space<hbm>> -> memref<64x128xf32, #tpu.memory_space<hbm>>
      %dma_wait3A_110 = arith.constant 0 : i32
      %dma_wait3A_111 = tpu.memref_slice %arg6[%multiple_of3A, %dma_wait3A_110] : memref<320000x128xf32, #tpu.memory_space<hbm>> -> memref<64x128xf32, #tpu.memory_space<hbm>>
      tpu.wait_dma2 semaphore(%arg26 : memref<!tpu.dma_semaphore, #tpu.memory_space<semaphore_mem>>) src(%arg13 : memref<64x128xf32, #tpu.memory_space<vmem>>) dst(%dma_wait3A_111 : memref<64x128xf32, #tpu.memory_space<hbm>>)
    } else {
    }
    %add3A_29 = arith.constant 4832 : i32
    %add3A_30 = arith.addi %add3A_29, %add3A : i32
    %lt3A_31 = arith.constant 5000 : i32
    %lt3A_32 = arith.cmpi slt, %add3A_30, %lt3A_31 : i32
    %add3A_33 = arith.constant 5024 : i32
    %add3A_34 = arith.addi %add3A_33, %add3A : i32
    %ge3A_35 = arith.constant 5000 : i32
    %ge3A_36 = arith.cmpi sge, %add3A_34, %ge3A_35 : i32
    %and3A_37 = arith.andi %lt3A_32, %ge3A_36 : i1
    %convert_element_type3A_38 = arith.extui %and3A_37 : i1 to i32
    %cond3A_39 = arith.constant 0 : i32
    %cond3A_40 = arith.cmpi ne, %convert_element_type3A_38, %cond3A_39 : i32
    scf.if %cond3A_40 {
      %dma_wait3A = arith.constant 0 : i32
      %dma_wait3A_102 = arith.constant 0 : i32
      %dma_wait3A_103 = tpu.memref_slice %arg19[%dma_wait3A, %dma_wait3A_102] : memref<10112x128xf32, #tpu.memory_space<vmem_shared>> -> memref<10112x128xf32, #tpu.memory_space<vmem_shared>>
      tpu.wait_indirect_dma semaphore(%arg33 : memref<!tpu.dma_semaphore, #tpu.memory_space<semaphore_mem>>) src(%arg14 : memref<64x128xf32, #tpu.memory_space<vmem>>) dst(%dma_wait3A_103 : memref<10112x128xf32, #tpu.memory_space<vmem_shared>>)
      %add3A_104 = arith.constant 4832 : i32
      %add3A_105 = arith.addi %add3A_104, %add3A : i32
      %mul3A_106 = arith.constant 64 : i32
      %mul3A_107 = arith.muli %add3A_105, %mul3A_106 : i32
      %multiple_of3A = tpu.assume_multiple %mul3A_107, 8 : i32
      %dma_wait3A_108 = arith.constant 0 : i32
      %dma_wait3A_109 = tpu.memref_slice %arg6[%multiple_of3A, %dma_wait3A_108] : memref<320000x128xf32, #tpu.memory_space<hbm>> -> memref<64x128xf32, #tpu.memory_space<hbm>>
      %dma_wait3A_110 = arith.constant 0 : i32
      %dma_wait3A_111 = tpu.memref_slice %arg6[%multiple_of3A, %dma_wait3A_110] : memref<320000x128xf32, #tpu.memory_space<hbm>> -> memref<64x128xf32, #tpu.memory_space<hbm>>
      tpu.wait_dma2 semaphore(%arg27 : memref<!tpu.dma_semaphore, #tpu.memory_space<semaphore_mem>>) src(%arg14 : memref<64x128xf32, #tpu.memory_space<vmem>>) dst(%dma_wait3A_111 : memref<64x128xf32, #tpu.memory_space<hbm>>)
    } else {
    }
    %add3A_41 = arith.constant 4864 : i32
    %add3A_42 = arith.addi %add3A_41, %add3A : i32
    %lt3A_43 = arith.constant 5000 : i32
    %lt3A_44 = arith.cmpi slt, %add3A_42, %lt3A_43 : i32
    %add3A_45 = arith.constant 5056 : i32
    %add3A_46 = arith.addi %add3A_45, %add3A : i32
    %ge3A_47 = arith.constant 5000 : i32
    %ge3A_48 = arith.cmpi sge, %add3A_46, %ge3A_47 : i32
    %and3A_49 = arith.andi %lt3A_44, %ge3A_48 : i1
    %convert_element_type3A_50 = arith.extui %and3A_49 : i1 to i32
    %cond3A_51 = arith.constant 0 : i32
    %cond3A_52 = arith.cmpi ne, %convert_element_type3A_50, %cond3A_51 : i32
    scf.if %cond3A_52 {
      %dma_wait3A = arith.constant 0 : i32
      %dma_wait3A_102 = arith.constant 0 : i32
      %dma_wait3A_103 = tpu.memref_slice %arg19[%dma_wait3A, %dma_wait3A_102] : memref<10112x128xf32, #tpu.memory_space<vmem_shared>> -> memref<10112x128xf32, #tpu.memory_space<vmem_shared>>
      tpu.wait_indirect_dma semaphore(%arg34 : memref<!tpu.dma_semaphore, #tpu.memory_space<semaphore_mem>>) src(%arg15 : memref<64x128xf32, #tpu.memory_space<vmem>>) dst(%dma_wait3A_103 : memref<10112x128xf32, #tpu.memory_space<vmem_shared>>)
      %add3A_104 = arith.constant 4864 : i32
      %add3A_105 = arith.addi %add3A_104, %add3A : i32
      %mul3A_106 = arith.constant 64 : i32
      %mul3A_107 = arith.muli %add3A_105, %mul3A_106 : i32
      %multiple_of3A = tpu.assume_multiple %mul3A_107, 8 : i32
      %dma_wait3A_108 = arith.constant 0 : i32
      %dma_wait3A_109 = tpu.memref_slice %arg6[%multiple_of3A, %dma_wait3A_108] : memref<320000x128xf32, #tpu.memory_space<hbm>> -> memref<64x128xf32, #tpu.memory_space<hbm>>
      %dma_wait3A_110 = arith.constant 0 : i32
      %dma_wait3A_111 = tpu.memref_slice %arg6[%multiple_of3A, %dma_wait3A_110] : memref<320000x128xf32, #tpu.memory_space<hbm>> -> memref<64x128xf32, #tpu.memory_space<hbm>>
      tpu.wait_dma2 semaphore(%arg28 : memref<!tpu.dma_semaphore, #tpu.memory_space<semaphore_mem>>) src(%arg15 : memref<64x128xf32, #tpu.memory_space<vmem>>) dst(%dma_wait3A_111 : memref<64x128xf32, #tpu.memory_space<hbm>>)
    } else {
    }
    %add3A_53 = arith.constant 4896 : i32
    %add3A_54 = arith.addi %add3A_53, %add3A : i32
    %lt3A_55 = arith.constant 5000 : i32
    %lt3A_56 = arith.cmpi slt, %add3A_54, %lt3A_55 : i32
    %add3A_57 = arith.constant 5088 : i32
    %add3A_58 = arith.addi %add3A_57, %add3A : i32
    %ge3A_59 = arith.constant 5000 : i32
    %ge3A_60 = arith.cmpi sge, %add3A_58, %ge3A_59 : i32
    %and3A_61 = arith.andi %lt3A_56, %ge3A_60 : i1
    %convert_element_type3A_62 = arith.extui %and3A_61 : i1 to i32
    %cond3A_63 = arith.constant 0 : i32
    %cond3A_64 = arith.cmpi ne, %convert_element_type3A_62, %cond3A_63 : i32
    scf.if %cond3A_64 {
      %dma_wait3A = arith.constant 0 : i32
      %dma_wait3A_102 = arith.constant 0 : i32
      %dma_wait3A_103 = tpu.memref_slice %arg19[%dma_wait3A, %dma_wait3A_102] : memref<10112x128xf32, #tpu.memory_space<vmem_shared>> -> memref<10112x128xf32, #tpu.memory_space<vmem_shared>>
      tpu.wait_indirect_dma semaphore(%arg35 : memref<!tpu.dma_semaphore, #tpu.memory_space<semaphore_mem>>) src(%arg16 : memref<64x128xf32, #tpu.memory_space<vmem>>) dst(%dma_wait3A_103 : memref<10112x128xf32, #tpu.memory_space<vmem_shared>>)
      %add3A_104 = arith.constant 4896 : i32
      %add3A_105 = arith.addi %add3A_104, %add3A : i32
      %mul3A_106 = arith.constant 64 : i32
      %mul3A_107 = arith.muli %add3A_105, %mul3A_106 : i32
      %multiple_of3A = tpu.assume_multiple %mul3A_107, 8 : i32
      %dma_wait3A_108 = arith.constant 0 : i32
      %dma_wait3A_109 = tpu.memref_slice %arg6[%multiple_of3A, %dma_wait3A_108] : memref<320000x128xf32, #tpu.memory_space<hbm>> -> memref<64x128xf32, #tpu.memory_space<hbm>>
      %dma_wait3A_110 = arith.constant 0 : i32
      %dma_wait3A_111 = tpu.memref_slice %arg6[%multiple_of3A, %dma_wait3A_110] : memref<320000x128xf32, #tpu.memory_space<hbm>> -> memref<64x128xf32, #tpu.memory_space<hbm>>
      tpu.wait_dma2 semaphore(%arg29 : memref<!tpu.dma_semaphore, #tpu.memory_space<semaphore_mem>>) src(%arg16 : memref<64x128xf32, #tpu.memory_space<vmem>>) dst(%dma_wait3A_111 : memref<64x128xf32, #tpu.memory_space<hbm>>)
    } else {
    }
    %add3A_65 = arith.constant 4928 : i32
    %add3A_66 = arith.addi %add3A_65, %add3A : i32
    %lt3A_67 = arith.constant 5000 : i32
    %lt3A_68 = arith.cmpi slt, %add3A_66, %lt3A_67 : i32
    %add3A_69 = arith.constant 5120 : i32
    %add3A_70 = arith.addi %add3A_69, %add3A : i32
    %ge3A_71 = arith.constant 5000 : i32
    %ge3A_72 = arith.cmpi sge, %add3A_70, %ge3A_71 : i32
    %and3A_73 = arith.andi %lt3A_68, %ge3A_72 : i1
    %convert_element_type3A_74 = arith.extui %and3A_73 : i1 to i32
    %cond3A_75 = arith.constant 0 : i32
    %cond3A_76 = arith.cmpi ne, %convert_element_type3A_74, %cond3A_75 : i32
    scf.if %cond3A_76 {
      %dma_wait3A = arith.constant 0 : i32
      %dma_wait3A_102 = arith.constant 0 : i32
      %dma_wait3A_103 = tpu.memref_slice %arg19[%dma_wait3A, %dma_wait3A_102] : memref<10112x128xf32, #tpu.memory_space<vmem_shared>> -> memref<10112x128xf32, #tpu.memory_space<vmem_shared>>
      tpu.wait_indirect_dma semaphore(%arg36 : memref<!tpu.dma_semaphore, #tpu.memory_space<semaphore_mem>>) src(%arg17 : memref<64x128xf32, #tpu.memory_space<vmem>>) dst(%dma_wait3A_103 : memref<10112x128xf32, #tpu.memory_space<vmem_shared>>)
      %add3A_104 = arith.constant 4928 : i32
      %add3A_105 = arith.addi %add3A_104, %add3A : i32
      %mul3A_106 = arith.constant 64 : i32
      %mul3A_107 = arith.muli %add3A_105, %mul3A_106 : i32
      %multiple_of3A = tpu.assume_multiple %mul3A_107, 8 : i32
      %dma_wait3A_108 = arith.constant 0 : i32
      %dma_wait3A_109 = tpu.memref_slice %arg6[%multiple_of3A, %dma_wait3A_108] : memref<320000x128xf32, #tpu.memory_space<hbm>> -> memref<64x128xf32, #tpu.memory_space<hbm>>
      %dma_wait3A_110 = arith.constant 0 : i32
      %dma_wait3A_111 = tpu.memref_slice %arg6[%multiple_of3A, %dma_wait3A_110] : memref<320000x128xf32, #tpu.memory_space<hbm>> -> memref<64x128xf32, #tpu.memory_space<hbm>>
      tpu.wait_dma2 semaphore(%arg30 : memref<!tpu.dma_semaphore, #tpu.memory_space<semaphore_mem>>) src(%arg17 : memref<64x128xf32, #tpu.memory_space<vmem>>) dst(%dma_wait3A_111 : memref<64x128xf32, #tpu.memory_space<hbm>>)
    } else {
    }
    %add3A_77 = arith.constant 4960 : i32
    %add3A_78 = arith.addi %add3A_77, %add3A : i32
    %lt3A_79 = arith.constant 5000 : i32
    %lt3A_80 = arith.cmpi slt, %add3A_78, %lt3A_79 : i32
    %add3A_81 = arith.constant 5152 : i32
    %add3A_82 = arith.addi %add3A_81, %add3A : i32
    %ge3A_83 = arith.constant 5000 : i32
    %ge3A_84 = arith.cmpi sge, %add3A_82, %ge3A_83 : i32
    %and3A_85 = arith.andi %lt3A_80, %ge3A_84 : i1
    %convert_element_type3A_86 = arith.extui %and3A_85 : i1 to i32
    %cond3A_87 = arith.constant 0 : i32
    %cond3A_88 = arith.cmpi ne, %convert_element_type3A_86, %cond3A_87 : i32
    scf.if %cond3A_88 {
      %dma_wait3A = arith.constant 0 : i32
      %dma_wait3A_102 = arith.constant 0 : i32
      %dma_wait3A_103 = tpu.memref_slice %arg19[%dma_wait3A, %dma_wait3A_102] : memref<10112x128xf32, #tpu.memory_space<vmem_shared>> -> memref<10112x128xf32, #tpu.memory_space<vmem_shared>>
      tpu.wait_indirect_dma semaphore(%arg37 : memref<!tpu.dma_semaphore, #tpu.memory_space<semaphore_mem>>) src(%arg18 : memref<64x128xf32, #tpu.memory_space<vmem>>) dst(%dma_wait3A_103 : memref<10112x128xf32, #tpu.memory_space<vmem_shared>>)
      %add3A_104 = arith.constant 4960 : i32
      %add3A_105 = arith.addi %add3A_104, %add3A : i32
      %mul3A_106 = arith.constant 64 : i32
      %mul3A_107 = arith.muli %add3A_105, %mul3A_106 : i32
      %multiple_of3A = tpu.assume_multiple %mul3A_107, 8 : i32
      %dma_wait3A_108 = arith.constant 0 : i32
      %dma_wait3A_109 = tpu.memref_slice %arg6[%multiple_of3A, %dma_wait3A_108] : memref<320000x128xf32, #tpu.memory_space<hbm>> -> memref<64x128xf32, #tpu.memory_space<hbm>>
      %dma_wait3A_110 = arith.constant 0 : i32
      %dma_wait3A_111 = tpu.memref_slice %arg6[%multiple_of3A, %dma_wait3A_110] : memref<320000x128xf32, #tpu.memory_space<hbm>> -> memref<64x128xf32, #tpu.memory_space<hbm>>
      tpu.wait_dma2 semaphore(%arg31 : memref<!tpu.dma_semaphore, #tpu.memory_space<semaphore_mem>>) src(%arg18 : memref<64x128xf32, #tpu.memory_space<vmem>>) dst(%dma_wait3A_111 : memref<64x128xf32, #tpu.memory_space<hbm>>)
    } else {
    }
    %add3A_89 = arith.constant 4992 : i32
    %add3A_90 = arith.addi %add3A_89, %add3A : i32
    %lt3A_91 = arith.constant 5000 : i32
    %lt3A_92 = arith.cmpi slt, %add3A_90, %lt3A_91 : i32
    %add3A_93 = arith.constant 5184 : i32
    %add3A_94 = arith.addi %add3A_93, %add3A : i32
    %ge3A_95 = arith.constant 5000 : i32
    %ge3A_96 = arith.cmpi sge, %add3A_94, %ge3A_95 : i32
    %and3A_97 = arith.andi %lt3A_92, %ge3A_96 : i1
    %convert_element_type3A_98 = arith.extui %and3A_97 : i1 to i32
    %cond3A_99 = arith.constant 0 : i32
    %cond3A_100 = arith.cmpi ne, %convert_element_type3A_98, %cond3A_99 : i32
    scf.if %cond3A_100 {
      %dma_wait3A = arith.constant 0 : i32
      %dma_wait3A_102 = arith.constant 0 : i32
      %dma_wait3A_103 = tpu.memref_slice %arg19[%dma_wait3A, %dma_wait3A_102] : memref<10112x128xf32, #tpu.memory_space<vmem_shared>> -> memref<10112x128xf32, #tpu.memory_space<vmem_shared>>
      tpu.wait_indirect_dma semaphore(%arg32 : memref<!tpu.dma_semaphore, #tpu.memory_space<semaphore_mem>>) src(%arg13 : memref<64x128xf32, #tpu.memory_space<vmem>>) dst(%dma_wait3A_103 : memref<10112x128xf32, #tpu.memory_space<vmem_shared>>)
      %add3A_104 = arith.constant 4992 : i32
      %add3A_105 = arith.addi %add3A_104, %add3A : i32
      %mul3A_106 = arith.constant 64 : i32
      %mul3A_107 = arith.muli %add3A_105, %mul3A_106 : i32
      %multiple_of3A = tpu.assume_multiple %mul3A_107, 8 : i32
      %dma_wait3A_108 = arith.constant 0 : i32
      %dma_wait3A_109 = tpu.memref_slice %arg6[%multiple_of3A, %dma_wait3A_108] : memref<320000x128xf32, #tpu.memory_space<hbm>> -> memref<64x128xf32, #tpu.memory_space<hbm>>
      %dma_wait3A_110 = arith.constant 0 : i32
      %dma_wait3A_111 = tpu.memref_slice %arg6[%multiple_of3A, %dma_wait3A_110] : memref<320000x128xf32, #tpu.memory_space<hbm>> -> memref<64x128xf32, #tpu.memory_space<hbm>>
      tpu.wait_dma2 semaphore(%arg26 : memref<!tpu.dma_semaphore, #tpu.memory_space<semaphore_mem>>) src(%arg13 : memref<64x128xf32, #tpu.memory_space<vmem>>) dst(%dma_wait3A_111 : memref<64x128xf32, #tpu.memory_space<hbm>>)
    } else {
    }
    %barrier3A_101 = arith.constant 0 : index
    tpu.barrier barrier_id(%barrier3A_101)
    "tpu.region"() ({
      %run_scoped3A = tpu.sem_alloc : memref<!tpu.dma_semaphore, #tpu.memory_space<semaphore_mem>>
      %dma_start3A = arith.constant 0 : i32
      %dma_start3A_102 = tpu.memref_slice %arg5[%arg0, %mul3A_2, %dma_start3A] : memref<2x10112x128xf32, #tpu.memory_space<hbm>> -> memref<1x632x128xf32, #tpu.memory_space<hbm>>
      %dma_start3A_103 = tpu.memref_squeeze %dma_start3A_102 : memref<1x632x128xf32, #tpu.memory_space<hbm>> -> memref<632x128xf32, #tpu.memory_space<hbm>>
      %dma_start3A_104 = arith.constant 0 : i32
      %dma_start3A_105 = tpu.memref_slice %arg19[%mul3A_2, %dma_start3A_104] : memref<10112x128xf32, #tpu.memory_space<vmem_shared>> -> memref<632x128xf32, #tpu.memory_space<vmem_shared>>
      tpu.enqueue_dma source(%dma_start3A_105 : memref<632x128xf32, #tpu.memory_space<vmem_shared>>) target(%dma_start3A_103 : memref<632x128xf32, #tpu.memory_space<hbm>>) target_semaphore(%run_scoped3A : memref<!tpu.dma_semaphore, #tpu.memory_space<semaphore_mem>>)
      %dma_wait3A = arith.constant 0 : i32
      %dma_wait3A_106 = tpu.memref_slice %arg5[%arg0, %mul3A_2, %dma_wait3A] : memref<2x10112x128xf32, #tpu.memory_space<hbm>> -> memref<1x632x128xf32, #tpu.memory_space<hbm>>
      %dma_wait3A_107 = tpu.memref_squeeze %dma_wait3A_106 : memref<1x632x128xf32, #tpu.memory_space<hbm>> -> memref<632x128xf32, #tpu.memory_space<hbm>>
      %dma_wait3A_108 = arith.constant 0 : i32
      %dma_wait3A_109 = tpu.memref_slice %arg19[%mul3A_2, %dma_wait3A_108] : memref<10112x128xf32, #tpu.memory_space<vmem_shared>> -> memref<632x128xf32, #tpu.memory_space<vmem_shared>>
      tpu.wait_dma2 semaphore(%run_scoped3A : memref<!tpu.dma_semaphore, #tpu.memory_space<semaphore_mem>>) src(%dma_wait3A_109 : memref<632x128xf32, #tpu.memory_space<vmem_shared>>) dst(%dma_wait3A_107 : memref<632x128xf32, #tpu.memory_space<hbm>>)
      tpu.yield
    }) : () -> ()
    return
  }
}

module attributes {stable_mosaic.version = 14 : i64} {
  func.func @_tc_body(%arg0: i32, %arg1: memref<2x2000x128xf32, #tpu.memory_space<vmem>>, %arg2: memref<2000x128xf32, #tpu.memory_space<vmem>>, %arg3: memref<128x128xf32, #tpu.memory_space<vmem>>, %arg4: memref<128x128xf32, #tpu.memory_space<vmem>>, %arg5: memref<1x128xf32, #tpu.memory_space<vmem>>, %arg6: memref<128x128xf32, #tpu.memory_space<vmem>>, %arg7: memref<1x128xf32, #tpu.memory_space<vmem>>, %arg8: memref<1x128xf32, #tpu.memory_space<vmem>>, %arg9: memref<1x128xf32, #tpu.memory_space<vmem>>, %arg10: memref<2000x128xf32, #tpu.memory_space<vmem>>) attributes {dimension_semantics = [#tpu.dimension_semantics<arbitrary>], iteration_bounds = array<i64: 5>, scalar_prefetch = 0 : i64, scratch_operands = 0 : i64, tpu.core_type = #tpu.core_type<tc>, window_params = [{transform_indices = @transform_0, window_bounds = array<i64: 2, 2000, 128>}, {transform_indices = @transform_1, window_bounds = array<i64: 2000, 128>}, {pipeline_mode = #tpu.pipeline_mode<synchronous>, transform_indices = @transform_2, window_bounds = array<i64: 128, 128>}, {pipeline_mode = #tpu.pipeline_mode<synchronous>, transform_indices = @transform_3, window_bounds = array<i64: 128, 128>}, {pipeline_mode = #tpu.pipeline_mode<synchronous>, transform_indices = @transform_4, window_bounds = array<i64: 1, 128>}, {pipeline_mode = #tpu.pipeline_mode<synchronous>, transform_indices = @transform_5, window_bounds = array<i64: 128, 128>}, {pipeline_mode = #tpu.pipeline_mode<synchronous>, transform_indices = @transform_6, window_bounds = array<i64: 1, 128>}, {pipeline_mode = #tpu.pipeline_mode<synchronous>, transform_indices = @transform_7, window_bounds = array<i64: 1, 128>}, {pipeline_mode = #tpu.pipeline_mode<synchronous>, transform_indices = @transform_8, window_bounds = array<i64: 1, 128>}, {transform_indices = @transform_9, window_bounds = array<i64: 2000, 128>}]} {
    %get3A = arith.constant 0 : index
    %get3A_0 = arith.constant 0 : index
    %get3A_1 = arith.constant 0 : index
    %get3A_2 = vector.load %arg1[%get3A, %get3A_0, %get3A_1] : memref<2x2000x128xf32, #tpu.memory_space<vmem>>, vector<1x2000x128xf32>
    %get3A_3 = vector.shape_cast %get3A_2 : vector<1x2000x128xf32> to vector<2000x128xf32>
    %get3A_4 = arith.constant 1 : index
    %get3A_5 = arith.constant 0 : index
    %get3A_6 = arith.constant 0 : index
    %get3A_7 = vector.load %arg1[%get3A_4, %get3A_5, %get3A_6] : memref<2x2000x128xf32, #tpu.memory_space<vmem>>, vector<1x2000x128xf32>
    %get3A_8 = vector.shape_cast %get3A_7 : vector<1x2000x128xf32> to vector<2000x128xf32>
    %add3A = arith.addf %get3A_3, %get3A_8 : vector<2000x128xf32>
    %get3A_9 = arith.constant 0 : index
    %get3A_10 = arith.constant 0 : index
    %get3A_11 = vector.load %arg2[%get3A_9, %get3A_10] : memref<2000x128xf32, #tpu.memory_space<vmem>>, vector<2000x128xf32>
    %get3A_12 = arith.constant 0 : index
    %get3A_13 = arith.constant 0 : index
    %get3A_14 = vector.load %arg3[%get3A_12, %get3A_13] : memref<128x128xf32, #tpu.memory_space<vmem>>, vector<128x128xf32>
    %dot_general3A = arith.constant dense<0.000000e+00> : vector<2000x128xf32>
    %dot_general3A_15 = tpu.matmul %add3A, %get3A_14, %dot_general3A {dimension_numbers = #tpu.dot_dimension_numbers<[1], [0], [0], [1], [0, 0, 1, 1], [], []>, transpose_lhs_hint = false} : vector<2000x128xf32>, vector<128x128xf32>, vector<2000x128xf32> -> vector<2000x128xf32>
    %get3A_16 = arith.constant 0 : index
    %get3A_17 = arith.constant 0 : index
    %get3A_18 = vector.load %arg4[%get3A_16, %get3A_17] : memref<128x128xf32, #tpu.memory_space<vmem>>, vector<128x128xf32>
    %dot_general3A_19 = arith.constant dense<0.000000e+00> : vector<2000x128xf32>
    %dot_general3A_20 = tpu.matmul %get3A_11, %get3A_18, %dot_general3A_19 {dimension_numbers = #tpu.dot_dimension_numbers<[1], [0], [0], [1], [0, 0, 1, 1], [], []>, transpose_lhs_hint = false} : vector<2000x128xf32>, vector<128x128xf32>, vector<2000x128xf32> -> vector<2000x128xf32>
    %add3A_21 = arith.addf %dot_general3A_15, %dot_general3A_20 : vector<2000x128xf32>
    %get3A_22 = arith.constant 0 : index
    %get3A_23 = arith.constant 0 : index
    %get3A_24 = vector.load %arg5[%get3A_22, %get3A_23] : memref<1x128xf32, #tpu.memory_space<vmem>>, vector<1x128xf32>
    %add3A_25 = vector.broadcast %get3A_24 : vector<1x128xf32> to vector<2000x128xf32>
    %add3A_26 = arith.addf %add3A_21, %add3A_25 : vector<2000x128xf32>
    %logistic3A = arith.negf %add3A_26 : vector<2000x128xf32>
    %logistic3A_27 = math.exp %logistic3A : vector<2000x128xf32>
    %logistic3A_28 = arith.constant 1.000000e+00 : f32
    %logistic3A_29 = vector.broadcast %logistic3A_28 : f32 to vector<2000x128xf32>
    %logistic3A_30 = arith.addf %logistic3A_29, %logistic3A_27 : vector<2000x128xf32>
    %logistic3A_31 = arith.divf %logistic3A_29, %logistic3A_30 : vector<2000x128xf32>
    %mul3A = arith.mulf %add3A_26, %logistic3A_31 : vector<2000x128xf32>
    %get3A_32 = arith.constant 0 : index
    %get3A_33 = arith.constant 0 : index
    %get3A_34 = vector.load %arg6[%get3A_32, %get3A_33] : memref<128x128xf32, #tpu.memory_space<vmem>>, vector<128x128xf32>
    %dot_general3A_35 = arith.constant dense<0.000000e+00> : vector<2000x128xf32>
    %dot_general3A_36 = tpu.matmul %mul3A, %get3A_34, %dot_general3A_35 {dimension_numbers = #tpu.dot_dimension_numbers<[1], [0], [0], [1], [0, 0, 1, 1], [], []>, transpose_lhs_hint = false} : vector<2000x128xf32>, vector<128x128xf32>, vector<2000x128xf32> -> vector<2000x128xf32>
    %get3A_37 = arith.constant 0 : index
    %get3A_38 = arith.constant 0 : index
    %get3A_39 = vector.load %arg7[%get3A_37, %get3A_38] : memref<1x128xf32, #tpu.memory_space<vmem>>, vector<1x128xf32>
    %add3A_40 = vector.broadcast %get3A_39 : vector<1x128xf32> to vector<2000x128xf32>
    %add3A_41 = arith.addf %dot_general3A_36, %add3A_40 : vector<2000x128xf32>
    %reduce_sum3A = arith.constant dense<0.000000e+00> : vector<2000xf32>
    %reduce_sum3A_42 = vector.multi_reduction <add>, %add3A_41, %reduce_sum3A [1] : vector<2000x128xf32> to vector<2000xf32>
    %broadcast_in_dim3A = vector.shape_cast %reduce_sum3A_42 : vector<2000xf32> to vector<2000x1xf32>
    %div3A = arith.constant 1.280000e+02 : f32
    %div3A_43 = vector.broadcast %div3A : f32 to vector<2000x1xf32>
    %div3A_44 = arith.divf %broadcast_in_dim3A, %div3A_43 : vector<2000x1xf32>
    %sub3A = vector.broadcast %div3A_44 : vector<2000x1xf32> to vector<2000x128xf32>
    %sub3A_45 = arith.subf %add3A_41, %sub3A : vector<2000x128xf32>
    %integer_pow3A = arith.mulf %sub3A_45, %sub3A_45 : vector<2000x128xf32>
    %reduce_sum3A_46 = arith.constant dense<0.000000e+00> : vector<2000xf32>
    %reduce_sum3A_47 = vector.multi_reduction <add>, %integer_pow3A, %reduce_sum3A_46 [1] : vector<2000x128xf32> to vector<2000xf32>
    %broadcast_in_dim3A_48 = vector.shape_cast %reduce_sum3A_47 : vector<2000xf32> to vector<2000x1xf32>
    %div3A_49 = arith.constant 1.280000e+02 : f32
    %div3A_50 = vector.broadcast %div3A_49 : f32 to vector<2000x1xf32>
    %div3A_51 = arith.divf %broadcast_in_dim3A_48, %div3A_50 : vector<2000x1xf32>
    %sub3A_52 = vector.broadcast %div3A_44 : vector<2000x1xf32> to vector<2000x128xf32>
    %sub3A_53 = arith.subf %add3A_41, %sub3A_52 : vector<2000x128xf32>
    %add3A_54 = arith.constant 9.99999974E-6 : f32
    %add3A_55 = vector.broadcast %add3A_54 : f32 to vector<2000x1xf32>
    %add3A_56 = arith.addf %div3A_51, %add3A_55 : vector<2000x1xf32>
    %rsqrt3A = math.rsqrt %add3A_56 : vector<2000x1xf32>
    %mul3A_57 = vector.broadcast %rsqrt3A : vector<2000x1xf32> to vector<2000x128xf32>
    %mul3A_58 = arith.mulf %sub3A_53, %mul3A_57 : vector<2000x128xf32>
    %get3A_59 = arith.constant 0 : index
    %get3A_60 = arith.constant 0 : index
    %get3A_61 = vector.load %arg8[%get3A_59, %get3A_60] : memref<1x128xf32, #tpu.memory_space<vmem>>, vector<1x128xf32>
    %mul3A_62 = vector.broadcast %get3A_61 : vector<1x128xf32> to vector<2000x128xf32>
    %mul3A_63 = arith.mulf %mul3A_58, %mul3A_62 : vector<2000x128xf32>
    %get3A_64 = arith.constant 0 : index
    %get3A_65 = arith.constant 0 : index
    %get3A_66 = vector.load %arg9[%get3A_64, %get3A_65] : memref<1x128xf32, #tpu.memory_space<vmem>>, vector<1x128xf32>
    %add3A_67 = vector.broadcast %get3A_66 : vector<1x128xf32> to vector<2000x128xf32>
    %add3A_68 = arith.addf %mul3A_63, %add3A_67 : vector<2000x128xf32>
    %add3A_69 = arith.addf %add3A_68, %get3A_11 : vector<2000x128xf32>
    %swap3A = arith.constant 0 : index
    %swap3A_70 = arith.constant 0 : index
    %swap3A_71 = vector.load %arg10[%swap3A, %swap3A_70] : memref<2000x128xf32, #tpu.memory_space<vmem>>, vector<2000x128xf32>
    tpu.vector_store %arg10[%swap3A, %swap3A_70], %add3A_69 {strides = array<i32>} : memref<2000x128xf32, #tpu.memory_space<vmem>>, vector<2000x128xf32>,
    return
  }
  func.func @transform_0(%arg0: i32) -> (i32, i32, i32) {
    %c0_i32 = arith.constant 0 : i32
    %c0_i32_0 = arith.constant 0 : i32
    %c0_i32_1 = arith.constant 0 : i32
    return %c0_i32, %arg0, %c0_i32_0 : i32, i32, i32
  }
  func.func @transform_1(%arg0: i32) -> (i32, i32) {
    %c0_i32 = arith.constant 0 : i32
    %c0_i32_0 = arith.constant 0 : i32
    return %arg0, %c0_i32 : i32, i32
  }
  func.func @transform_2(%arg0: i32) -> (i32, i32) {
    %c0_i32 = arith.constant 0 : i32
    %c0_i32_0 = arith.constant 0 : i32
    %c0_i32_1 = arith.constant 0 : i32
    return %c0_i32, %c0_i32_0 : i32, i32
  }
  func.func @transform_3(%arg0: i32) -> (i32, i32) {
    %c0_i32 = arith.constant 0 : i32
    %c0_i32_0 = arith.constant 0 : i32
    %c0_i32_1 = arith.constant 0 : i32
    return %c0_i32, %c0_i32_0 : i32, i32
  }
  func.func @transform_4(%arg0: i32) -> (i32, i32) {
    %c0_i32 = arith.constant 0 : i32
    %c0_i32_0 = arith.constant 0 : i32
    %c0_i32_1 = arith.constant 0 : i32
    return %c0_i32, %c0_i32_0 : i32, i32
  }
  func.func @transform_5(%arg0: i32) -> (i32, i32) {
    %c0_i32 = arith.constant 0 : i32
    %c0_i32_0 = arith.constant 0 : i32
    %c0_i32_1 = arith.constant 0 : i32
    return %c0_i32, %c0_i32_0 : i32, i32
  }
  func.func @transform_6(%arg0: i32) -> (i32, i32) {
    %c0_i32 = arith.constant 0 : i32
    %c0_i32_0 = arith.constant 0 : i32
    %c0_i32_1 = arith.constant 0 : i32
    return %c0_i32, %c0_i32_0 : i32, i32
  }
  func.func @transform_7(%arg0: i32) -> (i32, i32) {
    %c0_i32 = arith.constant 0 : i32
    %c0_i32_0 = arith.constant 0 : i32
    %c0_i32_1 = arith.constant 0 : i32
    return %c0_i32, %c0_i32_0 : i32, i32
  }
  func.func @transform_8(%arg0: i32) -> (i32, i32) {
    %c0_i32 = arith.constant 0 : i32
    %c0_i32_0 = arith.constant 0 : i32
    %c0_i32_1 = arith.constant 0 : i32
    return %c0_i32, %c0_i32_0 : i32, i32
  }
  func.func @transform_9(%arg0: i32) -> (i32, i32) {
    %c0_i32 = arith.constant 0 : i32
    %c0_i32_0 = arith.constant 0 : i32
    return %arg0, %c0_i32 : i32, i32
  }
}

</mosaic_0001>

<sc_bundles>
// kernel: kernel.4.cloned.1.call-start
scs
__scs_entry_jumppad:
0x0: {  	(pc) =	sbr.rel $0x88, $3  }
0x1: {  	(tag) =	ssettag $0x0;
	lr =	simm.s32 $0x1  }
0x2: {  	[smem:$0x3F98] =	sst lr;
	_ =	strace $0xD0000000  }
0x3: {  	_ = 	snop  }
0x4: {  	_ = 	snop  }
0x5: {  	_ = 	snop  }
0x6: {  	_ = 	snop  }
0x7: {  	_ = 	snop  }
__scs_overlays_trampoline_lowered:
0x8: {  	[smem:$0x3FA7] =	sst s0  }
0x9: {  	[smem:$0x3FA8] =	sst s1  }
0xa: {  	[smem:$0x3FA9] =	sst s2  }
0xb: {  	[smem:$0x3FAA] =	sst s3  }
0xc: {  	[smem:$0x3FAB] =	sst s4  }
0xd: {  	[smem:$0x3FAC] =	sst s5  }
0xe: {  	[smem:$0x3FAD] =	sst s6  }
0xf: {  	[smem:$0x3FAE] =	sst s7  }
0x10: {  	[smem:$0x3FAF] =	sst s8  }
0x11: {  	[smem:$0x3FB0] =	sst s9;
	s0 =	simm.s32 @!p0 $0x0  }
0x12: {  	s1 =	sld [smem:$0x3F96];
	s0 =	simm.s32 @p0 $0x1  }
0x13: {  	[smem:$0x3FB1] =	sst s0;
	s0 =	simm.s32 @!p1 $0x0  }
0x14: {  	s2 =	sld [smem:$0x3F95];
	s0 =	simm.s32 @p1 $0x1  }
0x15: {  	[smem:$0x3FB2] =	sst s0;
	s0 =	simm.s32 @!p2 $0x0  }
0x16: {  	s3 =	sld [smem:$0x3FDB];
	s0 =	simm.s32 @p2 $0x1  }
0x17: {  	s4 =	simm.s32 $0x1BF5;
	[smem:$0x3FB4] =	sst s0  }
0x18: {  	s0 =	sld [smem:$0x3F97];
	_ =	swait.ge [sflag:s4], $0x0  }
0x19: {  	s7 =	sld [smem:$0x3F98]  }
0x1a: {  	s8 =	sadd.s32 $0xFFFFE003, lr  }
0x1b: {  	s9 =	sadd.s32 $0xFFFFFEF7, lr;
	s5 =	simm.s32 $0xFFFFFFFF;
	p2 =	slt.u32 s8, $0xFFFFF086  }
0x1c: {  	p1 =	slt.u32 s9, $0xF7A;
	s5 =	simm.s32 @!p2 $0x0  }
0x1d: {  	s5 =	simm.s32 @p1 $0x1;
	p0 =	seq.s32 s7, s2  }
0x1e: {  	s7 =	smul.u32 @!p0 $0xF7A, s2;
	p2 =	seq.s32 @!p0 s5, $0x0  }
0x1f: {  	s9 =	smul.u32 $0xF7A, s1;
	s8 =	simm.s32 @!p0 $0x1BF5;
	p2 =	por !p2, p0  }
0x20: {  	[sflag:s8] =	ssyncset.s32 @!p0 $0xFFFFF086;
	s6 =	sadd.s32 @!p0 s3, s7;
	s7 =	simm.s32 @!p0 $0x108  }
0x21: {  	s3 =	sadd.s32 s3, s9;
	s6 =	sadd.s32 @!p0 $0x88, s6;
	s7 =	simm.s32 @p2 $0x1082  }
0x22: {  	[simem:s7], [sflag:s8] =	dma.local @!p0 [hbm:s6], $0xF7A  }
0x23: {  	s9 =	sor.u32 $0xD0000000, s2;
	s6 =	simm.s32 $0x108;
	_ =	swait.ge @!p0 [sflag:s8], $0x0  }
0x24: {  	s3 =	sadd.s32 $0x88, s3;
	s6 =	simm.s32 @!p1 $0x1082;
	[sflag:s4] =	ssyncset.s32 $0xFFFFF086  }
0x25: {  	[simem:s6], [sflag:s4] =	dma.local [hbm:s3], $0xF7A  }
0x26: {  	[smem:$0x3F98] =	sst s1;
	(tag) =	ssettag s2;
	_ =	strace s9  }
0x27: {  	s1 =	sld [smem:$0x3FA8]  }
0x28: {  	s2 =	sld [smem:$0x3FA9]  }
0x29: {  	s4 =	sld [smem:$0x3FAB]  }
0x2a: {  	p0 =	seq.s32 s5, $0x0;
	s5 =	sld [smem:$0x3FAC]  }
0x2b: {  	s6 =	sld [smem:$0x3FAD]  }
0x2c: {  	s7 =	sld [smem:$0x3FAE]  }
0x2d: {  	s3 =	simm.s32 $0x108;
	s8 =	sld [smem:$0x3FAF]  }
0x2e: {  	s3 =	simm.s32 @!p0 $0x1082;
	s9 =	sld [smem:$0x3FB0]  }
0x2f: {  	lr =	sadd.s32 s0, s3;
	s0 =	sld [smem:$0x3FA7]  }
0x30: {  	s3 =	sld [smem:$0x3FAA]  }
0x31: {  	[smem:$0x3FB3] =	sst s10  }
0x32: {  	s10 =	sld [smem:$0x3FB1];
	_ =	sdelay $0x3  }
0x33: {  	p0 =	seq.s32 s10, $0x1;
	s10 =	sld [smem:$0x3FB3];
	_ =	sdelay $0x3  }
0x34: {  	[smem:$0x3FB3] =	sst s10  }
0x35: {  	s10 =	sld [smem:$0x3FB2];
	_ =	sdelay $0x3  }
0x36: {  	p1 =	seq.s32 s10, $0x1;
	s10 =	sld [smem:$0x3FB3];
	_ =	sdelay $0x3  }
0x37: {  	[smem:$0x3FB3] =	sst s10  }
0x38: {  	s10 =	sld [smem:$0x3FB4]  }
0x39: {  	_ = 	snop;
	(pc) =	sbr.ind lr, $3  }
0x3a: {  	_ = 	snop  }
0x3b: {  	_ = 	snop  }
0x3c: {  	p2 =	seq.s32 s10, $0x1;
	s10 =	sld [smem:$0x3FB3]  }
0x3d: {  	_ =	shalt  }
0x3e: {  	_ =	shalt  }
0x3f: {  	_ =	shalt  }
0x40: {  	_ =	shalt  }
0x41: {  	_ =	shalt  }
0x42: {  	_ =	shalt  }
0x43: {  	_ =	shalt  }
0x44: {  	_ =	shalt  }
0x45: {  	_ =	shalt  }
0x46: {  	_ =	shalt  }
0x47: {  	_ =	shalt  }
0x48: {  	_ =	shalt  }
0x49: {  	_ =	shalt  }
0x4a: {  	_ =	shalt  }
0x4b: {  	_ =	shalt  }
0x4c: {  	_ =	shalt  }
0x4d: {  	_ =	shalt  }
0x4e: {  	_ =	shalt  }
0x4f: {  	_ =	shalt  }
0x50: {  	_ =	shalt  }
0x51: {  	_ =	shalt  }
0x52: {  	_ =	shalt  }
0x53: {  	_ =	shalt  }
0x54: {  	_ =	shalt  }
0x55: {  	_ =	shalt  }
0x56: {  	_ =	shalt  }
0x57: {  	_ =	shalt  }
0x58: {  	_ =	shalt  }
0x59: {  	_ =	shalt  }
0x5a: {  	_ =	shalt  }
0x5b: {  	_ =	shalt  }
0x5c: {  	_ =	shalt  }
0x5d: {  	_ =	shalt  }
0x5e: {  	_ =	shalt  }
0x5f: {  	_ =	shalt  }
0x60: {  	_ =	shalt  }
0x61: {  	_ =	shalt  }
0x62: {  	_ =	shalt  }
0x63: {  	_ =	shalt  }
0x64: {  	_ =	shalt  }
0x65: {  	_ =	shalt  }
0x66: {  	_ =	shalt  }
0x67: {  	_ =	shalt  }
0x68: {  	_ =	shalt  }
0x69: {  	_ =	shalt  }
0x6a: {  	_ =	shalt  }
0x6b: {  	_ =	shalt  }
0x6c: {  	_ =	shalt  }
0x6d: {  	_ =	shalt  }
0x6e: {  	_ =	shalt  }
0x6f: {  	_ =	shalt  }
0x70: {  	_ =	shalt  }
0x71: {  	_ =	shalt  }
0x72: {  	_ =	shalt  }
0x73: {  	_ =	shalt  }
0x74: {  	_ =	shalt  }
0x75: {  	_ =	shalt  }
0x76: {  	_ =	shalt  }
0x77: {  	_ =	shalt  }
0x78: {  	_ =	shalt  }
0x79: {  	_ =	shalt  }
0x7a: {  	_ =	shalt  }
0x7b: {  	_ =	shalt  }
0x7c: {  	_ =	shalt  }
0x7d: {  	_ =	shalt  }
0x7e: {  	_ =	shalt  }
0x7f: {  	_ =	shalt  }
0x80: {  	_ =	shalt  }
0x81: {  	_ =	shalt  }
0x82: {  	_ =	shalt  }
0x83: {  	_ =	shalt  }
0x84: {  	_ =	shalt  }
0x85: {  	_ =	shalt  }
0x86: {  	_ =	shalt  }
0x87: {  	_ =	shalt  }
.Lfunc_end0:
.L_simem_size_0:
called_computation_lowered:
.L_overlay_start_0:
0x88: {  	s2 =	sld [smem:$0x3FD9]  }
0x89: {  	s3 =	sld [smem:$0x3FFE];
	_ =	sdelay $0x1  }
0x8a: {  	s1 =	srdreg.scid  }
0x8b: {  	s0 =	sand.u32 $0x1, s1  }
0x8c: {  	s14 =	sshll.u32 s0, $0xA;
	s2 =	sadd.s32 s3, s2  }
0x8d: {  	s2 =	sadd.s32 s2, s14  }
0x8e: {  	[smem:$0x3FBF] =	sst s2  }
0x8f: {  	_ = 	snop  }
0x90: {  	s2 =	sld [smem:$0x3FD0];
	_ =	sdelay $0x2  }
0x91: {  	s4 =	simm.s32 $0xA;
	s5 =	simm.s32 $0x10;
	s15 =	sld [smem:$0x3FC9]  }
0x92: {  	[smem:s5], [sflag:s4] =	dma.local [hbm:s2], $0x1  }
0x93: {  	_ =	swait.eq [sflag:s4], $0x1  }
0x94: {  	[sflag:s4] =	ssyncset.done $0x0  }
0x95: {  	s16 =	sld [smem:$0x10];
	[sflag:s4] =	ssyncadd.s32 $0xFFFFFFFF  }
0x96: {  	s17 =	sld [smem:$0x11];
	(tm) =	ssettm $0x1  }
0x97: {  	s18 =	sld [smem:$0x3FFB];
	_ =	sdelay $0x3  }
0x98: {  	_ =	strace s18  }
0x99: {  	s5 =	sld [smem:$0x3FFC];
	_ =	sdelay $0x3  }
0x9a: {  	_ =	strace s5  }
0x9b: {  	s5 =	sld [smem:$0x3FFD];
	_ =	sdelay $0x3  }
0x9c: {  	_ =	strace s5  }
0x9d: {  	_ =	strace $0x8FFFFFFF  }
0x9e: {  	s19 =	sld [smem:$0x3FDB];
	_ =	sdelay $0x1  }
0x9f: {  	s6 =	simm.s32 $_scs_section_size  }
0xa0: {  	s7 =	simm.s32 $_size__tile_overlayer_lowered;
	s8 =	simm.s32 $_tile_overlayer_lowered  }
0xa1: {  	s22 =	simm.s32 $0x1BFF;
	s21 =	sshll.u32 s8, $0x1;
	s5 =	sadd.s32 s6, s19  }
0xa2: {  	s9 =	simm.s32 $0x0;
	s20 =	sshll.u32 s7, $0x1;
	s7 =	sadd.s32 s21, s5  }
0xa3: {  	[timem:s9], [sflag:s22] =	dma.local [hbm:s7], s20  }
0xa4: {  	_ =	swait.ge [sflag:s22], s20  }
0xa5: {  	s6 =	ssub.s32 $0x0, s20;
	[sflag:s22] =	ssyncset.done $0x0  }
0xa6: {  	[sflag:s22] =	ssyncadd.s32 s6;
	_ =	sdelay $0x1  }
0xa7: {  	s23 =	simm.s32 $0x1B8B  }
0xa8: {  	_ =	swait.ge [sflag:s23], $0x1  }
0xa9: {  	[sflag:s23] =	ssyncset.done $0x0  }
0xaa: {  	s25 =	simm.s32 $0x1B8E;
	s24 =	sld [smem:$0x3FFE];
	[sflag:s23] =	ssyncadd.s32 $0xFFFFFFFF  }
0xab: {  	s26 =	simm.s32 $execute0_lowered;
	[smem:$0x3FD2] =	sst s25  }
0xac: {  	s7 =	sshll.u32 s26, $0x1;
	_ =	strace $0x80000046;
	[dreg:$0x1] =	wrdreg $0xFFFFFFFF  }
0xad: {  	s28 =	simm.s32 $_size_execute0_lowered;
	s5 =	sadd.s32 s5, s7;
	[dreg:$0x0] =	wrdreg $0x0  }
0xae: {  	s7 =	sshll.u32 s28, $0x1;
	[dreg:$0x2] =	wrdreg s5  }
0xaf: {  	[dreg:$0x3] =	wrdreg s7  }
0xb0: {  	[dreg:$0x4] =	wrdreg $0xC0  }
0xb1: {  	_ =	task [dreg:s9], $0x5FFFF  }
0xb2: {  	[dreg:$0x1] =	wrdreg $0xFFFFFFFF  }
0xb3: {  	[dreg:$0x0] =	wrdreg $0x60  }
0xb4: {  	[dreg:$0x2] =	wrdreg s15  }
0xb5: {  	[dreg:$0x3] =	wrdreg s17  }
0xb6: {  	[dreg:$0x4] =	wrdreg s24  }
0xb7: {  	[dreg:$0x5] =	wrdreg s16  }
0xb8: {  	[dreg:$0x6] =	wrdreg $0xC3000  }
0xb9: {  	[dreg:$0x7] =	wrdreg $0x9  }
0xba: {  	_ =	task.clear_ibuf [dreg:s9], $0x8FFFF;
	_ =	strace $0x90000046  }
0xbb: {  	s29 =	simm.s32 $0x9;
	_ =	strace $0x80000048  }
0xbc: {  	_ =	swait.ge [sflag:s29], $0x1  }
0xbd: {  	[sflag:s29] =	ssyncadd.s32 $0xFFFFFFFF  }
0xbe: {  	_ =	strace $0x90000048  }
0xbf: {  	_ =	sfence  }
0xc0: {  	s30 =	sld [smem:$0x0];
	_ =	sdelay $0x2  }
0xc1: {  	s31 =	sshll.u32 s1, $0xD;
	s1 =	sshrl.u32 s1, $0x2  }
0xc2: {  	s3 =	sand.u32 $0x4000, s31;
	s1 =	sadd.s32 s1, s30  }
0xc3: {  	s0 =	sor.u32 s3, s0;
	s1 =	sshll.u32 s1, $0x11  }
0xc4: {  	s0 =	sor.u32 s1, s0  }
0xc5: {  	s0 =	sadd.s32 $0x8F2B, s0  }
0xc6: {  	[sflag:s0] =	ssyncadd.remote.s32 $0x1  }
0xc7: {  	_ =	sfence.sel $0xFFFF  }
0xc8: {  	[dreg:$0x0] =	wrdreg $0xFFFFFFFF;
	(pc) =	sbr.abs _section_cstart, $3  }
0xc9: {  	[dreg:$0x1] =	wrdreg $0xFFFFFFFF  }
0xca: {  	_ =	task.clear_ibuf [dreg:s9], $0x2FFFF;
	_ =	strace $0x9FFFFFFF  }
0xcb: {  	(tm) =	ssettm $0x7FFFFFFF  }
tec
execute0_lowered:
.L_overlay_start_1:
0x0: {  	(tag) =	ssettag $0x1  }
0x1: {  	s0 =	rddreg [dreg:$0x0]  }
0x2: {  	s1 =	rddreg [dreg:$0x1]  }
0x3: {  	s3 =	rddreg [dreg:$0x2]  }
0x4: {  	s5 =	rddreg [dreg:$0x3];
	s4 =	srdreg.scid  }
0x5: {  	s10 =	rddreg [dreg:$0x4];
	s2 =	stileid.u32  }
0x6: {  	s8 =	simm.s32 $0x0;
	s6 =	sand.u32 $0x1, s4;
	s7 =	smul.u32 $0x13C00, s2  }
0x7: {  	[smem:$0x7FF] =	sst s8;
	s9 =	smul.u32 $0x4F000, s2;
	s11 =	sadd.s32 $0x2000, s3  }
0x8: {  	s15 =	sshll.u32 s2, $0x1;
	s17 =	sshll.u32 s2, $0x6;
	s19 =	sadd.s32 $0x9C40, s1  }
0x9: {  	s23 =	sshll.u32 s2, $0x4;
	s28 =	sshll.u32 s2, $0xB;
	p0 =	slt.u32 s2, $0x4  }
0xa: {  	s4 =	smul.u32 $0x13C000, s6;
	_ =	strace $0x80000047;
	s8 =	ssub.s32 $0x2, s6  }
0xb: {  	[dreg:$0x8] =	wrdreg s11;
	s14 =	sor.u32 $0x1C13, s17;
	s1 =	sadd.s32 s23, s1  }
0xc: {  	s25 =	sshll.u32 s6, $0x3;
	s29 =	sshll.u32 s6, $0xA;
	s12 =	sshrl.u32 s8, $0x1  }
0xd: {  	s16 =	sshrl.u32 s9, $0x2;
	s1 =	sadd.s32 s25, s1;
	[dreg:$0x9] =	wrdreg s14  }
0xe: {  	s4 =	sadd.s32 s7, s4;
	s13 =	ssub.s32 s8, s12;
	s7 =	sor.u32 s6, s15  }
0xf: {  	s8 =	sadd.s32 s16, s10;
	s1 =	sadd.s32 $0xA340, s1;
	s18 =	sshll.u32 s7, $0x3  }
0x10: {  	s20 =	sor.u32 $0x20, s7;
	s26 =	smax.u32 s13, $0x1;
	[dreg:$0x10] =	wrdreg s1  }
0x11: {  	s21 =	sshll.u32 s7, $0xA;
	s30 =	sor.u32 $0xE0, s7;
	[dreg:$0xf] =	wrdreg s26  }
0x12: {  	s1 =	sadd.s32 s28, s5;
	s9 =	sadd.s32 s18, s19;
	[dreg:$0x11] =	wrdreg s30  }
0x13: {  	s12 =	sshll.u32 s20, $0x3;
	s31 =	sadd.s32 s29, s1;
	[dreg:$0xa] =	wrdreg s9  }
0x14: {  	s24 =	sshll.u32 s20, $0xA;
	s1 =	sshrl.u32 s8, $0x3;
	[dreg:$0x7] =	wrdreg s31  }
0x15: {  	s9 =	sadd.s32 s0, s21;
	s22 =	sadd.s32 s12, s19;
	[dreg:$0x12] =	wrdreg s1  }
0x16: {  	s10 =	sadd.s32 s0, s24;
	s0 =	sadd.s32 s28, s0;
	[dreg:$0xb] =	wrdreg s9  }
0x17: {  	s4 =	sshrl.u32 s4, $0x3;
	[dreg:$0xc] =	wrdreg s22;
	s0 =	sadd.s32 s29, s0  }
0x18: {  	s3 =	sadd.s32 s4, s3;
	[dreg:$0x6] =	wrdreg s0;
	s0 =	simm.s32 @!p0 $0x0  }
0x19: {  	[dreg:$0xd] =	wrdreg s10;
	s0 =	simm.s32 @p0 $0x1;
	p0 =	sgt.u32 s2, $0x3  }
0x1a: {  	s3 =	sadd.s32 $0x4800, s3;
	[smem:$0x7FC] =	sst s0;
	s0 =	simm.s32 @!p0 $0x0  }
0x1b: {  	[dreg:$0xe] =	wrdreg s3;
	s0 =	simm.s32 @p0 $0x1  }
0x1c: {  	s3 =	simm.s32 $0x13;
	s2 =	simm.s32 $0x0;
	[smem:$0x7FD] =	sst s0  }
.LBB2_1:
0x1d: {  	[dreg:$0x13] =	wrdreg s2  }
0x1e: {  	s0 =	rddreg [dreg:$0x8]  }
0x1f: {  	[spmem:s1], [sflag:s14] =	dma.local [hbm:s0], $0x2780  }
0x20: {  	_ =	swait.ge [sflag:s3], $0x2780  }
0x21: {  	[sflag:s3] =	ssyncset.done $0x0  }
0x22: {  	[sflag:s3] =	ssyncadd.s32 $0xFFFFD880  }
0x23: {  	[bflag:$0x0] =	sbarrier.arrive $0xFFFF  }
0x24: {  	s17 =	rddreg [dreg:$0xa]  }
0x25: {  	s16 =	simm.s32 $0x0;
	s4 =	rddreg [dreg:$0x11]  }
0x26: {  	[tilespmem:s16], [sflag:$0x1] =	stream.linear.gather [hbm4b:s17+s16], $0x40, $0x38;
	[tilespmem:$0x1FF00] =	vst v63  }
0x27: {  	s24 =	sadd.s32 $0xFFFFFF60, s4  }
0x28: {  	s19 =	simm.s32 $0x300;
	s18 =	rddreg [dreg:$0xb];
	p0 =	sgt.u32 s24, $0x1387  }
0x29: {  	[tilespmem:s19], [sflag:$0x1] =	stream.linear.gather [hbm4b:s18+s16], $0x2000, $0x38;
	[tilespmem:$0x1FF00] =	vst v63  }
0x2a: {  	p1 =	por @!p0 $0x1, $0x1  }
0x2b: {  	s21 =	simm.s32 $0x80;
	s20 =	rddreg [dreg:$0xc];
	p2 =	por p1, p0  }
0x2c: {  	[tilespmem:s21], [sflag:$0x2] =	stream.linear.gather [hbm4b:s20+s16], $0x40, $0x38;
	[tilespmem:$0x1FF00] =	vst v63  }
0x2d: {  	s23 =	simm.s32 $0x2300;
	s22 =	rddreg [dreg:$0xd];
	s1 =	simm.s32 @!p2 $0xF  }
0x2e: {  	[tilespmem:s23], [sflag:$0x2] =	stream.linear.gather [hbm4b:s22+s16], $0x2000, $0x38;
	[tilespmem:$0x1FF00] =	vst v63  }
0x2f: {  	_ =	swait.ge @!p2 [sflag:s1], $0x2000  }
0x30: {  	s3 =	sadd.s32 $0xFFFFFF20, s4;
	[sflag:s1] =	ssyncset.done @!p2 $0x0  }
0x31: {  	s12 =	simm.s32 @!p0 $0x0;
	s5 =	simm.s32 @!p2 $0x9;
	[sflag:s1] =	ssyncadd.s32 @!p2 $0xFFFFE000  }
0x32: {  	s6 =	simm.s32 @!p0 $0x100;
	s13 =	rddreg [dreg:$0x6];
	_ =	swait.ge @!p2 [sflag:s5], $0x2000  }
0x33: {  	p1 =	sgt.u32 s3, $0x1387;
	[sflag:s5] =	ssyncset.done @!p2 $0x0;
	s2 =	rddreg [dreg:$0x10]  }
0x34: {  	s1 =	sadd.s32 @!p0 $0x0, s13;
	s7 =	sadd.s32 @!p0 $0xFFFFFB00, s2;
	[sflag:s5] =	ssyncadd.s32 @!p2 $0xFFFFE000  }
0x35: {  	[tilespmem:s6], [sflag:$0x3] =	stream.linear.gather @!p0 [hbm4b:s7+s12], $0x40, $0x38;
	[tilespmem:$0x1FF00] =	vst v63  }
0x36: {  	s18 =	simm.s32 @!p0 $0x4300;
	s1 =	sadd.s32 @!p0 $0x10000, s1;
	s5 =	simm.s32 @!p1 $0x1  }
0x37: {  	[tilespmem:s18], [sflag:$0x3] =	stream.linear.gather @!p0 [hbm4b:s1+s12], $0x2000, $0x38;
	[tilespmem:$0x1FF00] =	vst v63  }
0x38: {  	_ =	swait.ge @!p1 [sflag:s5], $0x40  }
0x39: {  	s25 =	sadd.s32 $0xFFFFFF80, s4;
	[sflag:s5] =	ssyncset.done @!p1 $0x0  }
0x3a: {  	p6 =	sgt.u32 s25, $0x1387;
	[sflag:s5] =	ssyncadd.s32 @!p1 $0xFFFFFFC0  }
0x3b: {  	s8 =	simm.s32 @!p1 $0x0;
	p2 =	por @!p6 $0x1, $0x1;
	_ =	swait.ge @!p1 [sflag:s5], $0x2000  }
0x3c: {  	s7 =	simm.s32 @!p1 $0x300;
	s15 =	rddreg [dreg:$0x7];
	[sflag:s5] =	ssyncset.done @!p1 $0x0  }
0x3d: {  	p2 =	por p2, p6;
	s1 =	sadd.s32 @!p1 $0x0, s15;
	[sflag:s5] =	ssyncadd.s32 @!p1 $0xFFFFE000  }
0x3e: {  	[hbm4b:s1+s8] =	stream.linear.scatter @!p1 [tilespmem:s7], [sflag:$0x7], $0x2000, $0x38;
	[tilespmem:$0x1FF00] =	vst v63  }
0x3f: {  	s5 =	simm.s32 @!p2 $0x10;
	s1 =	simm.s32 @!p1 $0x40;
	s0 =	rddreg [dreg:$0x4]  }
0x40: {  	[spmem:s0] =	stream.indirect.scatter.add.f32 @!p1 [tilespmem:s7], [sflag:$0xD], $0x80, s8, s1, $0xb8;
	[tilespmem:$0x1FF00] =	vst v63  }
0x41: {  	_ =	swait.ge @!p2 [sflag:s5], $0x2000  }
0x42: {  	[sflag:s5] =	ssyncset.done @!p2 $0x0  }
0x43: {  	s1 =	simm.s32 @!p2 $0xA;
	[sflag:s5] =	ssyncadd.s32 @!p2 $0xFFFFE000  }
0x44: {  	s28 =	sadd.s32 $0xFFFFFF40, s4;
	s10 =	simm.s32 @!p6 $0x180;
	_ =	swait.ge @!p2 [sflag:s1], $0x2000  }
0x45: {  	s21 =	simm.s32 @!p6 $0x0;
	p1 =	sgt.u32 s28, $0x1387;
	[sflag:s1] =	ssyncset.done @!p2 $0x0  }
0x46: {  	s7 =	sadd.s32 @!p6 $0xFFFFFC00, s2;
	s5 =	sadd.s32 @!p6 $0x0, s13;
	[sflag:s1] =	ssyncadd.s32 @!p2 $0xFFFFE000  }
0x47: {  	[tilespmem:s10], [sflag:$0x4] =	stream.linear.gather @!p6 [hbm4b:s7+s21], $0x40, $0x38;
	[tilespmem:$0x1FF00] =	vst v63  }
0x48: {  	s22 =	simm.s32 @!p6 $0x6300;
	s1 =	sadd.s32 @!p6 $0x18000, s5;
	s5 =	simm.s32 @!p1 $0x2  }
0x49: {  	[tilespmem:s22], [sflag:$0x4] =	stream.linear.gather @!p6 [hbm4b:s1+s21], $0x2000, $0x38;
	[tilespmem:$0x1FF00] =	vst v63  }
0x4a: {  	s14 =	simm.s32 $0x30000;
	s26 =	sadd.s32 $0xFFFFFFA0, s4;
	_ =	swait.ge @!p1 [sflag:s5], $0x40  }
0x4b: {  	p5 =	sgt.u32 s4, $0x1387;
	s30 =	sadd.s32 $0xFFFFFFC0, s4;
	[sflag:s5] =	ssyncset.done @!p1 $0x0  }
0x4c: {  	p4 =	sgt.u32 s26, $0x1387;
	p3 =	sgt.u32 s30, $0x1387;
	[sflag:s5] =	ssyncadd.s32 @!p1 $0xFFFFFFC0  }
0x4d: {  	s8 =	simm.s32 @!p1 $0x2300;
	s9 =	simm.s32 @!p1 $0x0;
	_ =	swait.ge @!p1 [sflag:s5], $0x2000  }
0x4e: {  	p2 =	por @!p4 $0x1, $0x1;
	s7 =	sadd.s32 @!p1 $0x0, s15;
	[sflag:s5] =	ssyncset.done @!p1 $0x0  }
0x4f: {  	p2 =	por p2, p4;
	s7 =	sadd.s32 @!p1 $0x8000, s7;
	[sflag:s5] =	ssyncadd.s32 @!p1 $0xFFFFE000  }
0x50: {  	[hbm4b:s7+s9] =	stream.linear.scatter @!p1 [tilespmem:s8], [sflag:$0x8], $0x2000, $0x38;
	[tilespmem:$0x1FF00] =	vst v63  }
0x51: {  	s5 =	simm.s32 @!p1 $0x40;
	s7 =	simm.s32 @!p2 $0x11;
	s9 =	simm.s32 @!p1 $0x80  }
0x52: {  	[spmem:s0] =	stream.indirect.scatter.add.f32 @!p1 [tilespmem:s8], [sflag:$0xE], $0x80, s9, s5, $0xb8;
	[tilespmem:$0x1FF00] =	vst v63  }
0x53: {  	s30 =	sadd.s32 $0xFFFFFFE0, s4;
	s25 =	simm.s32 @!p4 $0x0;
	_ =	swait.ge @!p2 [sflag:s7], $0x2000  }
0x54: {  	s11 =	simm.s32 @!p4 $0x8300;
	s19 =	simm.s32 @!p0 $0x3;
	[sflag:s7] =	ssyncset.done @!p2 $0x0  }
0x55: {  	s20 =	simm.s32 $0x60000;
	s8 =	simm.s32 @!p2 $0xB;
	[sflag:s7] =	ssyncadd.s32 @!p2 $0xFFFFE000  }
0x56: {  	s23 =	simm.s32 @!p4 $0x200;
	s26 =	sadd.s32 @!p3 $0x0, s13;
	_ =	swait.ge @!p2 [sflag:s8], $0x2000  }
0x57: {  	s5 =	sadd.s32 @!p0 $0x0, s15;
	s9 =	sadd.s32 @!p4 $0x0, s13;
	[sflag:s8] =	ssyncset.done @!p2 $0x0  }
0x58: {  	s16 =	sadd.s32 @!p0 $0x10000, s5;
	s5 =	sadd.s32 @!p4 $0xFFFFFD00, s2;
	[sflag:s8] =	ssyncadd.s32 @!p2 $0xFFFFE000  }
0x59: {  	[tilespmem:s23], [sflag:$0x5] =	stream.linear.gather @!p4 [hbm4b:s5+s25], $0x40, $0x38;
	[tilespmem:$0x1FF00] =	vst v63  }
0x5a: {  	p1 =	por @!p3 $0x1, $0x1;
	s7 =	sadd.s32 @!p6 $0x0, s15;
	s5 =	sadd.s32 @!p4 $0x20000, s9  }
0x5b: {  	[tilespmem:s11], [sflag:$0x5] =	stream.linear.gather @!p4 [hbm4b:s5+s25], $0x2000, $0x38;
	[tilespmem:$0x1FF00] =	vst v63  }
0x5c: {  	s24 =	sadd.s32 @!p6 $0x18000, s7;
	s7 =	simm.s32 @!p3 $0x280;
	_ =	swait.ge @!p0 [sflag:s19], $0x40  }
0x5d: {  	p2 =	por p1, p3;
	p1 =	por p5, p5;
	[sflag:s19] =	ssyncset.done @!p0 $0x0  }
0x5e: {  	p5 =	sgt.u32 s30, $0x1387;
	s5 =	sadd.s32 @!p3 $0x0, s15;
	[sflag:s19] =	ssyncadd.s32 @!p0 $0xFFFFFFC0  }
0x5f: {  	s9 =	simm.s32 @!p3 $0x0;
	s8 =	sadd.s32 @!p3 $0x28000, s5;
	_ =	swait.ge @!p0 [sflag:s19], $0x2000  }
0x60: {  	s5 =	sadd.s32 @!p3 $0x28000, s26;
	s26 =	sadd.s32 @!p4 $0x0, s15;
	[sflag:s19] =	ssyncset.done @!p0 $0x0  }
0x61: {  	s29 =	simm.s32 @!p2 $0x12;
	s26 =	sadd.s32 @!p4 $0x20000, s26;
	[sflag:s19] =	ssyncadd.s32 @!p0 $0xFFFFE000  }
0x62: {  	[hbm4b:s16+s12] =	stream.linear.scatter @!p0 [tilespmem:s18], [sflag:$0x9], $0x2000, $0x38;
	[tilespmem:$0x1FF00] =	vst v63  }
0x63: {  	s19 =	smov.u32 s2;
	s12 =	simm.s32 @!p0 $0x40;
	s16 =	simm.s32 @!p6 $0x4  }
0x64: {  	[spmem:s0] =	stream.indirect.scatter.add.f32 @!p0 [tilespmem:s18], [sflag:$0xF], $0x80, s6, s12, $0xb8;
	[tilespmem:$0x1FF00] =	vst v63  }
0x65: {  	p0 =	sgt.u32 @!p5 s3, $0x1387;
	s3 =	sadd.s32 @!p5 $0x0, s13;
	_ =	swait.ge @!p2 [sflag:s29], $0x2000  }
0x66: {  	s18 =	sadd.s32 $0xC0, s4;
	s0 =	simm.s32 @!p1 $0x0;
	[sflag:s29] =	ssyncset.done @!p2 $0x0  }
0x67: {  	s31 =	sadd.s32 @!p5 $0x30000, s3;
	s3 =	simm.s32 @!p2 $0xC;
	[sflag:s29] =	ssyncadd.s32 @!p2 $0xFFFFE000  }
0x68: {  	s0 =	simm.s32 @p1 $0x1;
	p1 =	sgt.u32 @!p1 s28, $0x1387;
	_ =	swait.ge @!p2 [sflag:s3], $0x2000  }
0x69: {  	s12 =	smov.u32 s2;
	[smem:$0x7FA] =	sst s0;
	s0 =	simm.s32 @!p1 $0x0  }
0x6a: {  	s6 =	simm.s32 $0x0;
	p0 =	por p0, p5;
	s0 =	simm.s32 @p1 $0x1  }
0x6b: {  	s29 =	sadd.s32 @!p3 $0xFFFFFE00, s2;
	[sflag:s3] =	ssyncset.done @!p2 $0x0;
	[smem:$0x7FB] =	sst s0  }
.LBB2_2:
0x6c: {  	[sflag:s3] =	ssyncadd.s32 @!p2 $0xFFFFE000;
	s28 =	smov.u32 s20;
	s20 =	sadd.s32 $0x30000, s20  }
0x6d: {  	[tilespmem:s7], [sflag:$0x6] =	stream.linear.gather @!p3 [hbm4b:s29+s9], $0x40, $0x38;
	[tilespmem:$0x1FF00] =	vst v63  }
0x6e: {  	p2 =	sne.s32 s20, $0x510000  }
0x6f: {  	s0 =	simm.s32 @!p2 $0x0  }
0x70: {  	s3 =	simm.s32 @!p3 $0xA300;
	s0 =	simm.s32 @p2 $0x1  }
0x71: {  	[tilespmem:s3], [sflag:$0x6] =	stream.linear.gather @!p3 [hbm4b:s5+s9], $0x2000, $0x38;
	[tilespmem:$0x1FF00] =	vst v63  }
0x72: {  	[smem:$0x7F9] =	sst s0  }
0x73: {  	_ =	swait.ge @!p6 [sflag:s16], $0x40  }
0x74: {  	[sflag:s16] =	ssyncset.done @!p6 $0x0  }
0x75: {  	[sflag:s16] =	ssyncadd.s32 @!p6 $0xFFFFFFC0  }
0x76: {  	_ =	swait.ge @!p6 [sflag:s16], $0x2000  }
0x77: {  	[sflag:s16] =	ssyncset.done @!p6 $0x0  }
0x78: {  	[sflag:s16] =	ssyncadd.s32 @!p6 $0xFFFFE000  }
0x79: {  	[hbm4b:s24+s21] =	stream.linear.scatter @!p6 [tilespmem:s22], [sflag:$0xA], $0x2000, $0x38;
	[tilespmem:$0x1FF00] =	vst v63  }
0x7a: {  	s5 =	simm.s32 @!p6 $0x40;
	s16 =	simm.s32 @!p0 $0xD;
	s1 =	rddreg [dreg:$0x4]  }
0x7b: {  	[spmem:s1] =	stream.indirect.scatter.add.f32 @!p6 [tilespmem:s22], [sflag:$0x10], $0x80, s10, s5, $0xb8;
	[tilespmem:$0x1FF00] =	vst v63  }
0x7c: {  	_ =	swait.ge @!p0 [sflag:s16], $0x2000  }
0x7d: {  	[sflag:s16] =	ssyncset.done @!p0 $0x0  }
0x7e: {  	s5 =	simm.s32 @!p0 $0x7;
	[sflag:s16] =	ssyncadd.s32 @!p0 $0xFFFFE000  }
0x7f: {  	_ =	swait.ge @!p0 [sflag:s5], $0x2000  }
0x80: {  	[sflag:s5] =	ssyncset.done @!p0 $0x0  }
0x81: {  	s10 =	simm.s32 @!p5 $0x0;
	[sflag:s5] =	ssyncadd.s32 @!p0 $0xFFFFE000;
	s5 =	sadd.s32 @!p5 $0xFFFFFF00, s19  }
0x82: {  	[tilespmem:s10], [sflag:$0x1] =	stream.linear.gather @!p5 [hbm4b:s5+s10], $0x40, $0x38;
	[tilespmem:$0x1FF00] =	vst v63  }
0x83: {  	s16 =	simm.s32 @!p4 $0x5;
	s5 =	simm.s32 @!p5 $0x300  }
0x84: {  	[tilespmem:s5], [sflag:$0x1] =	stream.linear.gather @!p5 [hbm4b:s31+s10], $0x2000, $0x38;
	[tilespmem:$0x1FF00] =	vst v63  }
0x85: {  	_ =	swait.ge @!p4 [sflag:s16], $0x40  }
0x86: {  	[sflag:s16] =	ssyncset.done @!p4 $0x0  }
0x87: {  	[sflag:s16] =	ssyncadd.s32 @!p4 $0xFFFFFFC0  }
0x88: {  	_ =	swait.ge @!p4 [sflag:s16], $0x2000  }
0x89: {  	s21 =	sld [smem:$0x7FA]  }
0x8a: {  	[sflag:s16] =	ssyncset.done @!p4 $0x0;
	s22 =	sld [smem:$0x7FB]  }
0x8b: {  	[sflag:s16] =	ssyncadd.s32 @!p4 $0xFFFFE000  }
0x8c: {  	[hbm4b:s26+s25] =	stream.linear.scatter @!p4 [tilespmem:s11], [sflag:$0xB], $0x2000, $0x38;
	[tilespmem:$0x1FF00] =	vst v63  }
0x8d: {  	p1 =	seq.s32 s21, $0x1;
	p6 =	seq.s32 s22, $0x1  }
0x8e: {  	s5 =	simm.s32 @!p4 $0x40;
	p0 =	por p6, p1  }
0x8f: {  	[spmem:s1] =	stream.indirect.scatter.add.f32 @!p4 [tilespmem:s11], [sflag:$0x11], $0x80, s23, s5, $0xb8;
	[tilespmem:$0x1FF00] =	vst v63  }
0x90: {  	s10 =	simm.s32 @!p0 $0xE  }
0x91: {  	_ =	swait.ge @!p0 [sflag:s10], $0x2000  }
0x92: {  	[sflag:s10] =	ssyncset.done @!p0 $0x0  }
0x93: {  	s5 =	simm.s32 @!p0 $0x8;
	[sflag:s10] =	ssyncadd.s32 @!p0 $0xFFFFE000  }
0x94: {  	_ =	swait.ge @!p0 [sflag:s5], $0x2000  }
0x95: {  	s10 =	simm.s32 @!p1 $0x80;
	[sflag:s5] =	ssyncset.done @!p0 $0x0;
	s15 =	rddreg [dreg:$0x6]  }
0x96: {  	[sflag:s5] =	ssyncadd.s32 @!p0 $0xFFFFE000;
	s5 =	simm.s32 @!p1 $0x0;
	s6 =	sadd.s32 @!p1 s6, s15  }
0x97: {  	[tilespmem:s10], [sflag:$0x2] =	stream.linear.gather @!p1 [hbm4b:s19+s5], $0x40, $0x38;
	[tilespmem:$0x1FF00] =	vst v63  }
0x98: {  	s11 =	simm.s32 @!p3 $0x6;
	s6 =	sadd.s32 @!p1 $0x38000, s6;
	s10 =	simm.s32 @!p1 $0x2300  }
0x99: {  	[tilespmem:s10], [sflag:$0x2] =	stream.linear.gather @!p1 [hbm4b:s6+s5], $0x2000, $0x38;
	[tilespmem:$0x1FF00] =	vst v63  }
0x9a: {  	_ =	swait.ge @!p3 [sflag:s11], $0x40  }
0x9b: {  	[sflag:s11] =	ssyncset.done @!p3 $0x0  }
0x9c: {  	s13 =	smov.u32 s28;
	s23 =	sadd.s32 $0xFFFFFF60, s18;
	[sflag:s11] =	ssyncadd.s32 @!p3 $0xFFFFFFC0  }
0x9d: {  	s6 =	smov.u32 s14;
	p1 =	sgt.u32 s23, $0x1387;
	_ =	swait.ge @!p3 [sflag:s11], $0x2000  }
0x9e: {  	p0 =	seq.s32 @!p1 s6, $0x0;
	s2 =	rddreg [dreg:$0x7];
	[sflag:s11] =	ssyncset.done @!p3 $0x0  }
0x9f: {  	p0 =	por p0, p1;
	s5 =	sadd.s32 @!p1 s6, s2;
	[sflag:s11] =	ssyncadd.s32 @!p3 $0xFFFFE000  }
0xa0: {  	[hbm4b:s8+s9] =	stream.linear.scatter @!p3 [tilespmem:s3], [sflag:$0xC], $0x2000, $0x38;
	[tilespmem:$0x1FF00] =	vst v63  }
0xa1: {  	s9 =	simm.s32 @!p0 $0xF;
	s28 =	sadd.s32 @!p1 $0x10000, s5;
	s5 =	simm.s32 @!p3 $0x40  }
0xa2: {  	[spmem:s1] =	stream.indirect.scatter.add.f32 @!p3 [tilespmem:s3], [sflag:$0x12], $0x80, s7, s5, $0xb8;
	[tilespmem:$0x1FF00] =	vst v63  }
0xa3: {  	s12 =	sadd.s32 $0x600, s12;
	s31 =	sadd.s32 $0xFFFFFF20, s18;
	_ =	swait.ge @!p0 [sflag:s9], $0x2000  }
0xa4: {  	p5 =	sgt.u32 s18, $0x1387;
	p2 =	sgt.u32 s31, $0x1387;
	[sflag:s9] =	ssyncset.done @!p0 $0x0  }
0xa5: {  	s0 =	simm.s32 @!p5 $0x0;
	s3 =	simm.s32 @!p0 $0x9;
	[sflag:s9] =	ssyncadd.s32 @!p0 $0xFFFFE000  }
0xa6: {  	s0 =	simm.s32 @p5 $0x1;
	s10 =	sadd.s32 @!p1 s6, s15;
	_ =	swait.ge @!p0 [sflag:s3], $0x2000  }
0xa7: {  	s30 =	simm.s32 @!p1 $0x0;
	s29 =	simm.s32 @!p1 $0x100;
	[sflag:s3] =	ssyncset.done @!p0 $0x0  }
0xa8: {  	s8 =	sadd.s32 @!p1 $0x10000, s10;
	s5 =	sadd.s32 @!p1 $0xFFFFFB00, s12;
	[sflag:s3] =	ssyncadd.s32 @!p0 $0xFFFFE000  }
0xa9: {  	[tilespmem:s29], [sflag:$0x3] =	stream.linear.gather @!p1 [hbm4b:s5+s30], $0x40, $0x38;
	[tilespmem:$0x1FF00] =	vst v63  }
0xaa: {  	s7 =	simm.s32 @!p2 $0x1;
	[smem:$0x7FA] =	sst s0;
	s3 =	simm.s32 @!p1 $0x4300  }
0xab: {  	[tilespmem:s3], [sflag:$0x3] =	stream.linear.gather @!p1 [hbm4b:s8+s30], $0x2000, $0x38;
	[tilespmem:$0x1FF00] =	vst v63  }
0xac: {  	_ =	swait.ge @!p2 [sflag:s7], $0x40  }
0xad: {  	[sflag:s7] =	ssyncset.done @!p2 $0x0  }
0xae: {  	s25 =	sadd.s32 $0xFFFFFF80, s18;
	[sflag:s7] =	ssyncadd.s32 @!p2 $0xFFFFFFC0  }
0xaf: {  	s16 =	simm.s32 @!p2 $0x0;
	p6 =	sgt.u32 s25, $0x1387;
	_ =	swait.ge @!p2 [sflag:s7], $0x2000  }
0xb0: {  	s11 =	sadd.s32 @!p2 s6, s2;
	s10 =	sadd.s32 @!p6 s6, s15;
	[sflag:s7] =	ssyncset.done @!p2 $0x0  }
0xb1: {  	p3 =	seq.s32 @!p6 s6, $0x0;
	s9 =	simm.s32 @!p2 $0x300;
	[sflag:s7] =	ssyncadd.s32 @!p2 $0xFFFFE000  }
0xb2: {  	[hbm4b:s11+s16] =	stream.linear.scatter @!p2 [tilespmem:s9], [sflag:$0x7], $0x2000, $0x38;
	[tilespmem:$0x1FF00] =	vst v63  }
0xb3: {  	p3 =	por p3, p6;
	s5 =	simm.s32 @!p2 $0x40;
	s8 =	sadd.s32 $0xFFFFFF40, s18  }
0xb4: {  	[spmem:s1] =	stream.indirect.scatter.add.f32 @!p2 [tilespmem:s9], [sflag:$0xD], $0x80, s16, s5, $0xb8;
	[tilespmem:$0x1FF00] =	vst v63  }
0xb5: {  	s7 =	sadd.s32 @!p6 $0x18000, s10;
	s10 =	simm.s32 @!p3 $0x10;
	p2 =	sgt.u32 @!p5 s8, $0x1387  }
0xb6: {  	_ =	swait.ge @!p3 [sflag:s10], $0x2000;
	s0 =	simm.s32 @!p2 $0x0  }
0xb7: {  	[sflag:s10] =	ssyncset.done @!p3 $0x0;
	s0 =	simm.s32 @p2 $0x1  }
0xb8: {  	s5 =	simm.s32 @!p3 $0xA;
	[smem:$0x7FB] =	sst s0;
	[sflag:s10] =	ssyncadd.s32 @!p3 $0xFFFFE000  }
0xb9: {  	_ =	swait.ge @!p3 [sflag:s5], $0x2000  }
0xba: {  	s21 =	simm.s32 @!p6 $0x0;
	p0 =	sgt.u32 s8, $0x1387;
	[sflag:s5] =	ssyncset.done @!p3 $0x0  }
0xbb: {  	s8 =	sadd.s32 @!p6 $0xFFFFFC00, s12;
	s10 =	simm.s32 @!p6 $0x180;
	[sflag:s5] =	ssyncadd.s32 @!p3 $0xFFFFE000  }
0xbc: {  	[tilespmem:s10], [sflag:$0x4] =	stream.linear.gather @!p6 [hbm4b:s8+s21], $0x40, $0x38;
	[tilespmem:$0x1FF00] =	vst v63  }
0xbd: {  	s22 =	simm.s32 @!p6 $0x6300;
	s23 =	simm.s32 @!p0 $0x2  }
0xbe: {  	[tilespmem:s22], [sflag:$0x4] =	stream.linear.gather @!p6 [hbm4b:s7+s21], $0x2000, $0x38;
	[tilespmem:$0x1FF00] =	vst v63  }
0xbf: {  	_ =	swait.ge @!p0 [sflag:s23], $0x40  }
0xc0: {  	s24 =	sadd.s32 $0xFFFFFFA0, s18;
	s26 =	sadd.s32 $0xFFFFFFC0, s18;
	[sflag:s23] =	ssyncset.done @!p0 $0x0  }
0xc1: {  	p4 =	sgt.u32 s24, $0x1387;
	s9 =	sadd.s32 @!p0 s6, s2;
	[sflag:s23] =	ssyncadd.s32 @!p0 $0xFFFFFFC0  }
0xc2: {  	s16 =	simm.s32 @!p0 $0x2300;
	p5 =	seq.s32 @!p4 s6, $0x0;
	_ =	swait.ge @!p0 [sflag:s23], $0x2000  }
0xc3: {  	s25 =	sadd.s32 @!p0 $0x8000, s9;
	p5 =	por p5, p4;
	[sflag:s23] =	ssyncset.done @!p0 $0x0  }
0xc4: {  	p3 =	sgt.u32 s26, $0x1387;
	s26 =	simm.s32 @!p0 $0x0;
	[sflag:s23] =	ssyncadd.s32 @!p0 $0xFFFFE000  }
0xc5: {  	[hbm4b:s25+s26] =	stream.linear.scatter @!p0 [tilespmem:s16], [sflag:$0x8], $0x2000, $0x38;
	[tilespmem:$0x1FF00] =	vst v63  }
0xc6: {  	s0 =	simm.s32 @!p5 $0x11;
	s23 =	simm.s32 @!p0 $0x40;
	s25 =	simm.s32 @!p0 $0x80  }
0xc7: {  	[spmem:s1] =	stream.indirect.scatter.add.f32 @!p0 [tilespmem:s16], [sflag:$0xE], $0x80, s25, s23, $0xb8;
	[tilespmem:$0x1FF00] =	vst v63  }
0xc8: {  	_ =	swait.ge @!p5 [sflag:s0], $0x2000  }
0xc9: {  	s17 =	sadd.s32 @!p4 $0xFFFFFD00, s12;
	s4 =	sadd.s32 @!p4 s6, s15;
	[sflag:s0] =	ssyncset.done @!p5 $0x0  }
0xca: {  	s11 =	sadd.s32 @!p6 s6, s2;
	s16 =	simm.s32 @!p5 $0xB;
	[sflag:s0] =	ssyncadd.s32 @!p5 $0xFFFFE000  }
0xcb: {  	s4 =	sadd.s32 @!p4 $0x20000, s4;
	s24 =	sadd.s32 @!p6 $0x18000, s11;
	_ =	swait.ge @!p5 [sflag:s16], $0x2000  }
0xcc: {  	s23 =	sadd.s32 @!p4 s6, s2;
	s25 =	simm.s32 @!p4 $0x0;
	[sflag:s16] =	ssyncset.done @!p5 $0x0  }
0xcd: {  	s26 =	sadd.s32 @!p4 $0x20000, s23;
	s23 =	simm.s32 @!p4 $0x200;
	[sflag:s16] =	ssyncadd.s32 @!p5 $0xFFFFE000  }
0xce: {  	[tilespmem:s23], [sflag:$0x5] =	stream.linear.gather @!p4 [hbm4b:s17+s25], $0x40, $0x38;
	[tilespmem:$0x1FF00] =	vst v63  }
0xcf: {  	s11 =	simm.s32 @!p4 $0x8300;
	s8 =	sadd.s32 @!p3 s6, s2;
	s2 =	simm.s32 @!p1 $0x3  }
0xd0: {  	[tilespmem:s11], [sflag:$0x5] =	stream.linear.gather @!p4 [hbm4b:s4+s25], $0x2000, $0x38;
	[tilespmem:$0x1FF00] =	vst v63  }
0xd1: {  	_ =	swait.ge @!p1 [sflag:s2], $0x40  }
0xd2: {  	[sflag:s2] =	ssyncset.done @!p1 $0x0  }
0xd3: {  	[sflag:s2] =	ssyncadd.s32 @!p1 $0xFFFFFFC0  }
0xd4: {  	p2 =	seq.s32 @!p3 s6, $0x0;
	s0 =	sadd.s32 $0xFFFFFFE0, s18;
	_ =	swait.ge @!p1 [sflag:s2], $0x2000  }
0xd5: {  	p2 =	por p2, p3;
	p5 =	sgt.u32 s0, $0x1387;
	[sflag:s2] =	ssyncset.done @!p1 $0x0  }
0xd6: {  	s14 =	simm.s32 @!p2 $0x12;
	s0 =	sadd.s32 @!p5 s6, s15;
	[sflag:s2] =	ssyncadd.s32 @!p1 $0xFFFFE000  }
0xd7: {  	[hbm4b:s28+s30] =	stream.linear.scatter @!p1 [tilespmem:s3], [sflag:$0x9], $0x2000, $0x38;
	[tilespmem:$0x1FF00] =	vst v63  }
0xd8: {  	p0 =	sgt.u32 @!p5 s31, $0x1387;
	s31 =	sadd.s32 @!p5 $0x30000, s0;
	s0 =	simm.s32 @!p1 $0x40  }
0xd9: {  	[spmem:s1] =	stream.indirect.scatter.add.f32 @!p1 [tilespmem:s3], [sflag:$0xF], $0x80, s29, s0, $0xb8;
	[tilespmem:$0x1FF00] =	vst v63  }
0xda: {  	_ =	swait.ge @!p2 [sflag:s14], $0x2000  }
0xdb: {  	[sflag:s14] =	ssyncset.done @!p2 $0x0  }
0xdc: {  	s3 =	simm.s32 @!p2 $0xC;
	[sflag:s14] =	ssyncadd.s32 @!p2 $0xFFFFE000  }
0xdd: {  	_ =	swait.ge @!p2 [sflag:s3], $0x2000  }
0xde: {  	s30 =	sld [smem:$0x7F9];
	_ =	sdelay $0x2  }
0xdf: {  	p1 =	seq.s32 s30, $0x1  }
.Ltmp0:
0xe0: {  	_ = 	snop;
	(pc) =	sbr.rel @p1 .LBB2_2-.Ltmp0, $4  }
0xe1: {  	s19 =	smov.u32 s12;
	s5 =	sadd.s32 @!p3 s6, s15;
	s9 =	simm.s32 @!p3 $0x0  }
0xe2: {  	s8 =	sadd.s32 @!p3 $0x28000, s8;
	s5 =	sadd.s32 @!p3 $0x28000, s5;
	s7 =	simm.s32 @!p3 $0x280  }
0xe3: {  	s18 =	sadd.s32 $0xC0, s18;
	s16 =	simm.s32 @!p6 $0x4;
	p0 =	por p0, p5  }
0xe4: {  	s29 =	sadd.s32 @!p3 $0xFFFFFE00, s12;
	s14 =	smov.u32 s13;
	[sflag:s3] =	ssyncset.done @!p2 $0x0  }
0xe5: {  	[sflag:s3] =	ssyncadd.s32 @!p2 $0xFFFFE000  }
0xe6: {  	[tilespmem:s7], [sflag:$0x6] =	stream.linear.gather @!p3 [hbm4b:s29+s9], $0x40, $0x38;
	[tilespmem:$0x1FF00] =	vst v63  }
0xe7: {  	s3 =	simm.s32 @!p3 $0xA300  }
0xe8: {  	[tilespmem:s3], [sflag:$0x6] =	stream.linear.gather @!p3 [hbm4b:s5+s9], $0x2000, $0x38;
	[tilespmem:$0x1FF00] =	vst v63  }
0xe9: {  	_ =	swait.ge @!p6 [sflag:s16], $0x40  }
0xea: {  	[sflag:s16] =	ssyncset.done @!p6 $0x0  }
0xeb: {  	[sflag:s16] =	ssyncadd.s32 @!p6 $0xFFFFFFC0  }
0xec: {  	_ =	swait.ge @!p6 [sflag:s16], $0x2000  }
0xed: {  	[sflag:s16] =	ssyncset.done @!p6 $0x0  }
0xee: {  	[sflag:s16] =	ssyncadd.s32 @!p6 $0xFFFFE000  }
0xef: {  	[hbm4b:s24+s21] =	stream.linear.scatter @!p6 [tilespmem:s22], [sflag:$0xA], $0x2000, $0x38;
	[tilespmem:$0x1FF00] =	vst v63  }
0xf0: {  	s0 =	simm.s32 @!p6 $0x40;
	s17 =	rddreg [dreg:$0x4]  }
0xf1: {  	[spmem:s17] =	stream.indirect.scatter.add.f32 @!p6 [tilespmem:s22], [sflag:$0x10], $0x80, s10, s0, $0xb8;
	[tilespmem:$0x1FF00] =	vst v63  }
0xf2: {  	s0 =	simm.s32 @!p0 $0xD  }
0xf3: {  	_ =	swait.ge @!p0 [sflag:s0], $0x2000  }
0xf4: {  	[sflag:s0] =	ssyncset.done @!p0 $0x0  }
0xf5: {  	s2 =	simm.s32 @!p0 $0x7;
	[sflag:s0] =	ssyncadd.s32 @!p0 $0xFFFFE000  }
0xf6: {  	_ =	swait.ge @!p0 [sflag:s2], $0x2000  }
0xf7: {  	[sflag:s2] =	ssyncset.done @!p0 $0x0  }
0xf8: {  	s0 =	sadd.s32 @!p5 $0xFFFFFF00, s19;
	[sflag:s2] =	ssyncadd.s32 @!p0 $0xFFFFE000;
	s2 =	simm.s32 @!p5 $0x0  }
0xf9: {  	[tilespmem:s2], [sflag:$0x1] =	stream.linear.gather @!p5 [hbm4b:s0+s2], $0x40, $0x38;
	[tilespmem:$0x1FF00] =	vst v63  }
0xfa: {  	s0 =	simm.s32 @!p5 $0x300  }
0xfb: {  	[tilespmem:s0], [sflag:$0x1] =	stream.linear.gather @!p5 [hbm4b:s31+s2], $0x2000, $0x38;
	[tilespmem:$0x1FF00] =	vst v63  }
0xfc: {  	s0 =	simm.s32 @!p4 $0x5  }
0xfd: {  	_ =	swait.ge @!p4 [sflag:s0], $0x40  }
0xfe: {  	[sflag:s0] =	ssyncset.done @!p4 $0x0  }
0xff: {  	[sflag:s0] =	ssyncadd.s32 @!p4 $0xFFFFFFC0  }
0x100: {  	_ =	swait.ge @!p4 [sflag:s0], $0x2000  }
0x101: {  	s24 =	sld [smem:$0x7FA]  }
0x102: {  	[sflag:s0] =	ssyncset.done @!p4 $0x0;
	s28 =	sld [smem:$0x7FB]  }
0x103: {  	[sflag:s0] =	ssyncadd.s32 @!p4 $0xFFFFE000  }
0x104: {  	[hbm4b:s26+s25] =	stream.linear.scatter @!p4 [tilespmem:s11], [sflag:$0xB], $0x2000, $0x38;
	[tilespmem:$0x1FF00] =	vst v63  }
0x105: {  	p1 =	seq.s32 s24, $0x1;
	p6 =	seq.s32 s28, $0x1  }
0x106: {  	s0 =	simm.s32 @!p4 $0x40;
	p0 =	por p6, p1  }
0x107: {  	[spmem:s17] =	stream.indirect.scatter.add.f32 @!p4 [tilespmem:s11], [sflag:$0x11], $0x80, s23, s0, $0xb8;
	[tilespmem:$0x1FF00] =	vst v63  }
0x108: {  	s2 =	simm.s32 @!p0 $0xE  }
0x109: {  	_ =	swait.ge @!p0 [sflag:s2], $0x2000  }
0x10a: {  	[sflag:s2] =	ssyncset.done @!p0 $0x0  }
0x10b: {  	s0 =	simm.s32 @!p0 $0x8;
	[sflag:s2] =	ssyncadd.s32 @!p0 $0xFFFFE000  }
0x10c: {  	_ =	swait.ge @!p0 [sflag:s0], $0x2000  }
0x10d: {  	s2 =	simm.s32 @!p1 $0x80;
	[sflag:s0] =	ssyncset.done @!p0 $0x0;
	s13 =	rddreg [dreg:$0x6]  }
0x10e: {  	[sflag:s0] =	ssyncadd.s32 @!p0 $0xFFFFE000;
	s0 =	simm.s32 @!p1 $0x0;
	s4 =	sadd.s32 @!p1 s6, s13  }
0x10f: {  	[tilespmem:s2], [sflag:$0x2] =	stream.linear.gather @!p1 [hbm4b:s19+s0], $0x40, $0x38;
	[tilespmem:$0x1FF00] =	vst v63  }
0x110: {  	s5 =	simm.s32 @!p3 $0x6;
	s2 =	sadd.s32 @!p1 $0x38000, s4;
	s4 =	simm.s32 @!p1 $0x2300  }
0x111: {  	[tilespmem:s4], [sflag:$0x2] =	stream.linear.gather @!p1 [hbm4b:s2+s0], $0x2000, $0x38;
	[tilespmem:$0x1FF00] =	vst v63  }
0x112: {  	_ =	swait.ge @!p3 [sflag:s5], $0x40  }
0x113: {  	[sflag:s5] =	ssyncset.done @!p3 $0x0  }
0x114: {  	s29 =	sadd.s32 $0xFFFFFF60, s18;
	[sflag:s5] =	ssyncadd.s32 @!p3 $0xFFFFFFC0  }
0x115: {  	p0 =	sgt.u32 s29, $0x1387;
	_ =	swait.ge @!p3 [sflag:s5], $0x2000  }
0x116: {  	p1 =	seq.s32 @!p0 s14, $0x0;
	[sflag:s5] =	ssyncset.done @!p3 $0x0  }
0x117: {  	p1 =	por p1, p0;
	[sflag:s5] =	ssyncadd.s32 @!p3 $0xFFFFE000  }
0x118: {  	[hbm4b:s8+s9] =	stream.linear.scatter @!p3 [tilespmem:s3], [sflag:$0xC], $0x2000, $0x38;
	[tilespmem:$0x1FF00] =	vst v63  }
0x119: {  	s2 =	simm.s32 @!p3 $0x40;
	s0 =	simm.s32 @!p1 $0xF  }
0x11a: {  	[spmem:s17] =	stream.indirect.scatter.add.f32 @!p3 [tilespmem:s3], [sflag:$0x12], $0x80, s7, s2, $0xb8;
	[tilespmem:$0x1FF00] =	vst v63  }
0x11b: {  	_ =	swait.ge @!p1 [sflag:s0], $0x2000  }
0x11c: {  	[sflag:s0] =	ssyncset.done @!p1 $0x0  }
0x11d: {  	s6 =	sadd.s32 $0x600, s12;
	s2 =	simm.s32 @!p1 $0x9;
	[sflag:s0] =	ssyncadd.s32 @!p1 $0xFFFFE000  }
0x11e: {  	s4 =	sadd.s32 @!p0 $0xFFFFFB00, s6;
	s8 =	simm.s32 @!p0 $0x0;
	_ =	swait.ge @!p1 [sflag:s2], $0x2000  }
0x11f: {  	s3 =	sadd.s32 $0xFFFFFF20, s18;
	s7 =	simm.s32 @!p0 $0x100;
	[sflag:s2] =	ssyncset.done @!p1 $0x0  }
0x120: {  	p2 =	sgt.u32 s3, $0x1387;
	s0 =	sadd.s32 @!p0 s14, s13;
	[sflag:s2] =	ssyncadd.s32 @!p1 $0xFFFFE000  }
0x121: {  	[tilespmem:s7], [sflag:$0x3] =	stream.linear.gather @!p0 [hbm4b:s4+s8], $0x40, $0x38;
	[tilespmem:$0x1FF00] =	vst v63  }
0x122: {  	s10 =	simm.s32 @!p0 $0x4300;
	s0 =	sadd.s32 @!p0 $0x10000, s0;
	s2 =	simm.s32 @!p2 $0x1  }
0x123: {  	[tilespmem:s10], [sflag:$0x3] =	stream.linear.gather @!p0 [hbm4b:s0+s8], $0x2000, $0x38;
	[tilespmem:$0x1FF00] =	vst v63  }
0x124: {  	_ =	swait.ge @!p2 [sflag:s2], $0x40  }
0x125: {  	[sflag:s2] =	ssyncset.done @!p2 $0x0  }
0x126: {  	s30 =	sadd.s32 $0xFFFFFF80, s18;
	s5 =	simm.s32 @!p2 $0x0;
	[sflag:s2] =	ssyncadd.s32 @!p2 $0xFFFFFFC0  }
0x127: {  	p1 =	sgt.u32 s30, $0x1387;
	s4 =	simm.s32 @!p2 $0x300;
	_ =	swait.ge @!p2 [sflag:s2], $0x2000  }
0x128: {  	p3 =	seq.s32 @!p1 s14, $0x0;
	s15 =	rddreg [dreg:$0x7];
	[sflag:s2] =	ssyncset.done @!p2 $0x0  }
0x129: {  	p4 =	por p3, p1;
	s0 =	sadd.s32 @!p2 s14, s15;
	[sflag:s2] =	ssyncadd.s32 @!p2 $0xFFFFE000  }
0x12a: {  	[hbm4b:s0+s5] =	stream.linear.scatter @!p2 [tilespmem:s4], [sflag:$0x7], $0x2000, $0x38;
	[tilespmem:$0x1FF00] =	vst v63  }
0x12b: {  	s2 =	simm.s32 @!p4 $0x10;
	s0 =	simm.s32 @!p2 $0x40  }
0x12c: {  	[spmem:s17] =	stream.indirect.scatter.add.f32 @!p2 [tilespmem:s4], [sflag:$0xD], $0x80, s5, s0, $0xb8;
	[tilespmem:$0x1FF00] =	vst v63  }
0x12d: {  	_ =	swait.ge @!p4 [sflag:s2], $0x2000  }
0x12e: {  	[sflag:s2] =	ssyncset.done @!p4 $0x0  }
0x12f: {  	s0 =	simm.s32 @!p4 $0xA;
	[sflag:s2] =	ssyncadd.s32 @!p4 $0xFFFFE000  }
0x130: {  	s9 =	simm.s32 @!p1 $0x180;
	s11 =	simm.s32 @!p1 $0x0;
	_ =	swait.ge @!p4 [sflag:s0], $0x2000  }
0x131: {  	s5 =	sadd.s32 $0xFFFFFF40, s18;
	s4 =	sadd.s32 @!p1 $0xFFFFFC00, s6;
	[sflag:s0] =	ssyncset.done @!p4 $0x0  }
0x132: {  	p3 =	sgt.u32 s5, $0x1387;
	s2 =	sadd.s32 @!p1 s14, s13;
	[sflag:s0] =	ssyncadd.s32 @!p4 $0xFFFFE000  }
0x133: {  	[tilespmem:s9], [sflag:$0x4] =	stream.linear.gather @!p1 [hbm4b:s4+s11], $0x40, $0x38;
	[tilespmem:$0x1FF00] =	vst v63  }
0x134: {  	s16 =	simm.s32 @!p1 $0x6300;
	s0 =	sadd.s32 @!p1 $0x18000, s2;
	s2 =	simm.s32 @!p3 $0x2  }
0x135: {  	[tilespmem:s16], [sflag:$0x4] =	stream.linear.gather @!p1 [hbm4b:s0+s11], $0x2000, $0x38;
	[tilespmem:$0x1FF00] =	vst v63  }
0x136: {  	_ =	swait.ge @!p3 [sflag:s2], $0x40  }
0x137: {  	[sflag:s2] =	ssyncset.done @!p3 $0x0  }
0x138: {  	[sflag:s2] =	ssyncadd.s32 @!p3 $0xFFFFFFC0  }
0x139: {  	s1 =	smov.u32 s14;
	s31 =	sadd.s32 $0xFFFFFFA0, s18;
	_ =	swait.ge @!p3 [sflag:s2], $0x2000  }
0x13a: {  	s12 =	simm.s32 @!p3 $0x2300;
	s4 =	sadd.s32 @!p3 s14, s15;
	[sflag:s2] =	ssyncset.done @!p3 $0x0  }
0x13b: {  	s14 =	simm.s32 @!p3 $0x0;
	s4 =	sadd.s32 @!p3 $0x8000, s4;
	[sflag:s2] =	ssyncadd.s32 @!p3 $0xFFFFE000  }
0x13c: {  	[hbm4b:s4+s14] =	stream.linear.scatter @!p3 [tilespmem:s12], [sflag:$0x8], $0x2000, $0x38;
	[tilespmem:$0x1FF00] =	vst v63  }
0x13d: {  	p2 =	sgt.u32 s31, $0x1387;
	s0 =	simm.s32 @!p3 $0x40;
	s2 =	simm.s32 @!p3 $0x80  }
0x13e: {  	[spmem:s17] =	stream.indirect.scatter.add.f32 @!p3 [tilespmem:s12], [sflag:$0xE], $0x80, s2, s0, $0xb8;
	[tilespmem:$0x1FF00] =	vst v63  }
0x13f: {  	p3 =	seq.s32 @!p2 s1, $0x0  }
0x140: {  	p3 =	por p3, p2  }
0x141: {  	s0 =	simm.s32 @!p3 $0x11  }
0x142: {  	_ =	swait.ge @!p3 [sflag:s0], $0x2000  }
0x143: {  	[sflag:s0] =	ssyncset.done @!p3 $0x0  }
0x144: {  	s2 =	simm.s32 @!p3 $0xB;
	[sflag:s0] =	ssyncadd.s32 @!p3 $0xFFFFE000  }
0x145: {  	_ =	swait.ge @!p3 [sflag:s2], $0x2000  }
0x146: {  	s19 =	simm.s32 @!p2 $0x0;
	s4 =	sadd.s32 @!p2 s1, s13;
	[sflag:s2] =	ssyncset.done @!p3 $0x0  }
0x147: {  	s12 =	simm.s32 @!p2 $0x200;
	s0 =	sadd.s32 @!p2 $0xFFFFFD00, s6;
	[sflag:s2] =	ssyncadd.s32 @!p3 $0xFFFFE000  }
0x148: {  	[tilespmem:s12], [sflag:$0x5] =	stream.linear.gather @!p2 [hbm4b:s0+s19], $0x40, $0x38;
	[tilespmem:$0x1FF00] =	vst v63  }
0x149: {  	s20 =	simm.s32 @!p2 $0x8300;
	s2 =	simm.s32 @!p0 $0x3;
	s0 =	sadd.s32 @!p2 $0x20000, s4  }
0x14a: {  	[tilespmem:s20], [sflag:$0x5] =	stream.linear.gather @!p2 [hbm4b:s0+s19], $0x2000, $0x38;
	[tilespmem:$0x1FF00] =	vst v63  }
0x14b: {  	_ =	swait.ge @!p0 [sflag:s2], $0x40  }
0x14c: {  	[sflag:s2] =	ssyncset.done @!p0 $0x0  }
0x14d: {  	[sflag:s2] =	ssyncadd.s32 @!p0 $0xFFFFFFC0  }
0x14e: {  	_ =	swait.ge @!p0 [sflag:s2], $0x2000  }
0x14f: {  	s0 =	sadd.s32 @!p0 s1, s15;
	[sflag:s2] =	ssyncset.done @!p0 $0x0  }
0x150: {  	s4 =	sadd.s32 $0xFFFFFFC0, s18;
	s0 =	sadd.s32 @!p0 $0x10000, s0;
	[sflag:s2] =	ssyncadd.s32 @!p0 $0xFFFFE000  }
0x151: {  	[hbm4b:s0+s8] =	stream.linear.scatter @!p0 [tilespmem:s10], [sflag:$0x9], $0x2000, $0x38;
	[tilespmem:$0x1FF00] =	vst v63  }
0x152: {  	p3 =	sgt.u32 s4, $0x1387;
	s0 =	simm.s32 @!p0 $0x40  }
0x153: {  	[spmem:s17] =	stream.indirect.scatter.add.f32 @!p0 [tilespmem:s10], [sflag:$0xF], $0x80, s7, s0, $0xb8;
	[tilespmem:$0x1FF00] =	vst v63  }
0x154: {  	p0 =	seq.s32 @!p3 s1, $0x0  }
0x155: {  	p0 =	por p0, p3  }
0x156: {  	s0 =	simm.s32 @!p0 $0x12  }
0x157: {  	_ =	swait.ge @!p0 [sflag:s0], $0x2000  }
0x158: {  	[sflag:s0] =	ssyncset.done @!p0 $0x0  }
0x159: {  	s2 =	simm.s32 @!p0 $0xC;
	[sflag:s0] =	ssyncadd.s32 @!p0 $0xFFFFE000  }
0x15a: {  	_ =	swait.ge @!p0 [sflag:s2], $0x2000  }
0x15b: {  	s4 =	sadd.s32 @!p3 $0xFFFFFE00, s6;
	s8 =	simm.s32 @!p3 $0x280;
	[sflag:s2] =	ssyncset.done @!p0 $0x0  }
0x15c: {  	s7 =	simm.s32 @!p3 $0x0;
	s0 =	sadd.s32 @!p3 s1, s13;
	[sflag:s2] =	ssyncadd.s32 @!p0 $0xFFFFE000  }
0x15d: {  	[tilespmem:s8], [sflag:$0x6] =	stream.linear.gather @!p3 [hbm4b:s4+s7], $0x40, $0x38;
	[tilespmem:$0x1FF00] =	vst v63  }
0x15e: {  	s10 =	simm.s32 @!p3 $0xA300;
	s0 =	sadd.s32 @!p3 $0x28000, s0;
	s2 =	simm.s32 @!p1 $0x4  }
0x15f: {  	[tilespmem:s10], [sflag:$0x6] =	stream.linear.gather @!p3 [hbm4b:s0+s7], $0x2000, $0x38;
	[tilespmem:$0x1FF00] =	vst v63  }
0x160: {  	_ =	swait.ge @!p1 [sflag:s2], $0x40  }
0x161: {  	[sflag:s2] =	ssyncset.done @!p1 $0x0  }
0x162: {  	[sflag:s2] =	ssyncadd.s32 @!p1 $0xFFFFFFC0  }
0x163: {  	_ =	swait.ge @!p1 [sflag:s2], $0x2000  }
0x164: {  	s0 =	sadd.s32 @!p1 s1, s15;
	[sflag:s2] =	ssyncset.done @!p1 $0x0  }
0x165: {  	s14 =	sadd.s32 $0xFFFFFFE0, s18;
	s0 =	sadd.s32 @!p1 $0x18000, s0;
	[sflag:s2] =	ssyncadd.s32 @!p1 $0xFFFFE000  }
0x166: {  	[hbm4b:s0+s11] =	stream.linear.scatter @!p1 [tilespmem:s16], [sflag:$0xA], $0x2000, $0x38;
	[tilespmem:$0x1FF00] =	vst v63  }
0x167: {  	p0 =	sgt.u32 s14, $0x1387;
	s0 =	simm.s32 @!p1 $0x40  }
0x168: {  	[spmem:s17] =	stream.indirect.scatter.add.f32 @!p1 [tilespmem:s16], [sflag:$0x10], $0x80, s9, s0, $0xb8;
	[tilespmem:$0x1FF00] =	vst v63  }
0x169: {  	p1 =	sgt.u32 @!p0 s3, $0x1387  }
0x16a: {  	p1 =	por p1, p0  }
0x16b: {  	s0 =	simm.s32 @!p1 $0xD  }
0x16c: {  	_ =	swait.ge @!p1 [sflag:s0], $0x2000  }
0x16d: {  	[sflag:s0] =	ssyncset.done @!p1 $0x0  }
0x16e: {  	s2 =	simm.s32 @!p1 $0x7;
	[sflag:s0] =	ssyncadd.s32 @!p1 $0xFFFFE000  }
0x16f: {  	_ =	swait.ge @!p1 [sflag:s2], $0x2000  }
0x170: {  	s3 =	simm.s32 @!p0 $0x0;
	[sflag:s2] =	ssyncset.done @!p1 $0x0  }
0x171: {  	s0 =	sadd.s32 @!p0 s1, s13;
	[sflag:s2] =	ssyncadd.s32 @!p1 $0xFFFFE000;
	s2 =	sadd.s32 @!p0 $0xFFFFFF00, s6  }
0x172: {  	[tilespmem:s3], [sflag:$0x1] =	stream.linear.gather @!p0 [hbm4b:s2+s3], $0x40, $0x38;
	[tilespmem:$0x1FF00] =	vst v63  }
0x173: {  	s0 =	sadd.s32 @!p0 $0x30000, s0;
	s2 =	simm.s32 @!p0 $0x300  }
0x174: {  	[tilespmem:s2], [sflag:$0x1] =	stream.linear.gather @!p0 [hbm4b:s0+s3], $0x2000, $0x38;
	[tilespmem:$0x1FF00] =	vst v63  }
0x175: {  	s0 =	simm.s32 @!p2 $0x5  }
0x176: {  	_ =	swait.ge @!p2 [sflag:s0], $0x40  }
0x177: {  	[sflag:s0] =	ssyncset.done @!p2 $0x0  }
0x178: {  	[sflag:s0] =	ssyncadd.s32 @!p2 $0xFFFFFFC0  }
0x179: {  	_ =	swait.ge @!p2 [sflag:s0], $0x2000  }
0x17a: {  	s2 =	sadd.s32 @!p2 s1, s15;
	p0 =	sgt.u32 s18, $0x1387;
	[sflag:s0] =	ssyncset.done @!p2 $0x0  }
0x17b: {  	p1 =	sgt.u32 @!p0 s5, $0x1387;
	[sflag:s0] =	ssyncadd.s32 @!p2 $0xFFFFE000;
	s0 =	sadd.s32 @!p2 $0x20000, s2  }
0x17c: {  	[hbm4b:s0+s19] =	stream.linear.scatter @!p2 [tilespmem:s20], [sflag:$0xB], $0x2000, $0x38;
	[tilespmem:$0x1FF00] =	vst v63  }
0x17d: {  	p1 =	por p1, p0;
	s0 =	simm.s32 @!p2 $0x40  }
0x17e: {  	[spmem:s17] =	stream.indirect.scatter.add.f32 @!p2 [tilespmem:s20], [sflag:$0x11], $0x80, s12, s0, $0xb8;
	[tilespmem:$0x1FF00] =	vst v63  }
0x17f: {  	s0 =	simm.s32 @!p1 $0xE  }
0x180: {  	_ =	swait.ge @!p1 [sflag:s0], $0x2000  }
0x181: {  	[sflag:s0] =	ssyncset.done @!p1 $0x0  }
0x182: {  	[sflag:s0] =	ssyncadd.s32 @!p1 $0xFFFFE000;
	s0 =	simm.s32 @!p1 $0x8  }
0x183: {  	_ =	swait.ge @!p1 [sflag:s0], $0x2000  }
0x184: {  	[sflag:s0] =	ssyncset.done @!p1 $0x0  }
0x185: {  	s2 =	simm.s32 @!p0 $0x0;
	[sflag:s0] =	ssyncadd.s32 @!p1 $0xFFFFE000;
	s0 =	simm.s32 @!p0 $0x80  }
0x186: {  	[tilespmem:s0], [sflag:$0x2] =	stream.linear.gather @!p0 [hbm4b:s6+s2], $0x40, $0x38;
	[tilespmem:$0x1FF00] =	vst v63  }
0x187: {  	s0 =	sadd.s32 @!p0 s1, s13  }
0x188: {  	s3 =	simm.s32 @!p0 $0x2300;
	s0 =	sadd.s32 @!p0 $0x38000, s0  }
0x189: {  	[tilespmem:s3], [sflag:$0x2] =	stream.linear.gather @!p0 [hbm4b:s0+s2], $0x2000, $0x38;
	[tilespmem:$0x1FF00] =	vst v63  }
0x18a: {  	s0 =	simm.s32 @!p3 $0x6  }
0x18b: {  	_ =	swait.ge @!p3 [sflag:s0], $0x40  }
0x18c: {  	[sflag:s0] =	ssyncset.done @!p3 $0x0  }
0x18d: {  	[sflag:s0] =	ssyncadd.s32 @!p3 $0xFFFFFFC0  }
0x18e: {  	_ =	swait.ge @!p3 [sflag:s0], $0x2000  }
0x18f: {  	s1 =	sadd.s32 @!p3 s1, s15;
	[sflag:s0] =	ssyncset.done @!p3 $0x0;
	s16 =	sld [smem:$0x7FC]  }
0x190: {  	[sflag:s0] =	ssyncadd.s32 @!p3 $0xFFFFE000;
	s0 =	sadd.s32 @!p3 $0x28000, s1  }
0x191: {  	[hbm4b:s0+s7] =	stream.linear.scatter @!p3 [tilespmem:s10], [sflag:$0xC], $0x2000, $0x38;
	[tilespmem:$0x1FF00] =	vst v63  }
0x192: {  	s0 =	simm.s32 @!p3 $0x40;
	p0 =	seq.s32 s16, $0x1  }
0x193: {  	[spmem:s17] =	stream.indirect.scatter.add.f32 @!p3 [tilespmem:s10], [sflag:$0x12], $0x80, s8, s0, $0xb8;
	[tilespmem:$0x1FF00] =	vst v63  }
0x194: {  	s0 =	simm.s32 @!p0 $0xD  }
0x195: {  	_ =	swait.ge @!p0 [sflag:s0], $0x2000  }
0x196: {  	[sflag:s0] =	ssyncset.done @!p0 $0x0  }
0x197: {  	[sflag:s0] =	ssyncadd.s32 @!p0 $0xFFFFE000;
	s0 =	simm.s32 @!p0 $0x7  }
0x198: {  	_ =	swait.ge @!p0 [sflag:s0], $0x2000  }
0x199: {  	[sflag:s0] =	ssyncset.done @!p0 $0x0  }
0x19a: {  	s17 =	simm.s32 $0xE;
	[sflag:s0] =	ssyncadd.s32 @!p0 $0xFFFFE000  }
0x19b: {  	_ =	swait.ge [sflag:s17], $0x2000  }
0x19c: {  	[sflag:s17] =	ssyncset.done $0x0  }
0x19d: {  	s18 =	simm.s32 $0x8;
	[sflag:s17] =	ssyncadd.s32 $0xFFFFE000  }
0x19e: {  	_ =	swait.ge [sflag:s18], $0x2000  }
0x19f: {  	[sflag:s18] =	ssyncset.done $0x0  }
0x1a0: {  	s19 =	simm.s32 $0xF;
	[sflag:s18] =	ssyncadd.s32 $0xFFFFE000  }
0x1a1: {  	_ =	swait.ge [sflag:s19], $0x2000  }
0x1a2: {  	[sflag:s19] =	ssyncset.done $0x0  }
0x1a3: {  	s20 =	simm.s32 $0x9;
	[sflag:s19] =	ssyncadd.s32 $0xFFFFE000  }
0x1a4: {  	_ =	swait.ge [sflag:s20], $0x2000  }
0x1a5: {  	[sflag:s20] =	ssyncset.done $0x0  }
0x1a6: {  	s21 =	simm.s32 $0x10;
	[sflag:s20] =	ssyncadd.s32 $0xFFFFE000  }
0x1a7: {  	_ =	swait.ge [sflag:s21], $0x2000  }
0x1a8: {  	[sflag:s21] =	ssyncset.done $0x0  }
0x1a9: {  	s22 =	simm.s32 $0xA;
	[sflag:s21] =	ssyncadd.s32 $0xFFFFE000  }
0x1aa: {  	_ =	swait.ge [sflag:s22], $0x2000  }
0x1ab: {  	[sflag:s22] =	ssyncset.done $0x0  }
0x1ac: {  	s23 =	simm.s32 $0x11;
	[sflag:s22] =	ssyncadd.s32 $0xFFFFE000  }
0x1ad: {  	_ =	swait.ge [sflag:s23], $0x2000  }
0x1ae: {  	[sflag:s23] =	ssyncset.done $0x0  }
0x1af: {  	s24 =	simm.s32 $0xB;
	[sflag:s23] =	ssyncadd.s32 $0xFFFFE000  }
0x1b0: {  	_ =	swait.ge [sflag:s24], $0x2000  }
0x1b1: {  	[sflag:s24] =	ssyncset.done $0x0  }
0x1b2: {  	s25 =	simm.s32 $0x12;
	[sflag:s24] =	ssyncadd.s32 $0xFFFFE000  }
0x1b3: {  	_ =	swait.ge [sflag:s25], $0x2000  }
0x1b4: {  	[sflag:s25] =	ssyncset.done $0x0  }
0x1b5: {  	s26 =	simm.s32 $0xC;
	[sflag:s25] =	ssyncadd.s32 $0xFFFFE000  }
0x1b6: {  	_ =	swait.ge [sflag:s26], $0x2000  }
0x1b7: {  	s28 =	sld [smem:$0x7FD];
	_ =	sdelay $0x2  }
0x1b8: {  	[sflag:s26] =	ssyncset.done $0x0;
	p0 =	seq.s32 s28, $0x1  }
0x1b9: {  	[sflag:s26] =	ssyncadd.s32 $0xFFFFE000;
	s0 =	simm.s32 @!p0 $0xD  }
0x1ba: {  	_ =	swait.ge @!p0 [sflag:s0], $0x2000  }
0x1bb: {  	[sflag:s0] =	ssyncset.done @!p0 $0x0  }
0x1bc: {  	[sflag:s0] =	ssyncadd.s32 @!p0 $0xFFFFE000;
	s0 =	simm.s32 @!p0 $0x7  }
0x1bd: {  	_ =	swait.ge @!p0 [sflag:s0], $0x2000  }
0x1be: {  	[sflag:s0] =	ssyncset.done @!p0 $0x0  }
0x1bf: {  	[sflag:s0] =	ssyncadd.s32 @!p0 $0xFFFFE000  }
0x1c0: {  	[bflag:$0x0] =	sbarrier.arrive $0xFFFF  }
0x1c1: {  	s14 =	rddreg [dreg:$0x9]  }
0x1c2: {  	s29 =	rddreg [dreg:$0xe]  }
0x1c3: {  	s3 =	simm.s32 $0x13;
	s1 =	rddreg [dreg:$0x12]  }
0x1c4: {  	[hbm:s29], [sflag:s14] =	dma.local [spmem:s1], $0x2780  }
0x1c5: {  	_ =	swait.ge [sflag:s3], $0x2780  }
0x1c6: {  	s30 =	rddreg [dreg:$0x13]  }
0x1c7: {  	s31 =	rddreg [dreg:$0xf];
	s2 =	sadd.s32 $0x1, s30  }
0x1c8: {  	p0 =	sne.s32 s2, s31  }
.Ltmp1:
0x1c9: {  	_ = 	snop;
	(pc) =	sbr.rel @p0 .LBB2_1-.Ltmp1, $3  }
0x1ca: {  	_ =	sdelay $0x1  }
0x1cb: {  	[sflag:s3] =	ssyncset.done $0x0  }
0x1cc: {  	[sflag:s3] =	ssyncadd.s32 $0xFFFFD880  }
0x1cd: {  	_ =	sfence.sel $0x180000  }
0x1ce: {  	[bflag:$0x0] =	sbarrier.arrive $0xFFFF  }
0x1cf: {  	_ =	strace $0x90000047  }
0x1d0: {  	s0 =	stileid.u32;
	[bflag:$0x2] =	sbarrier.arrive $0xFFFF  }
0x1d1: {  	p0 =	sne.s32 s0, $0x0;
	s0 =	rddreg [dreg:$0x5]  }
0x1d2: {  	s0 =	sadd.s32 @!p0 $0x100000, s0  }
0x1d3: {  	[sflag:s0] =	ssyncadd.tile.s32 @!p0 $0x1;
	_ =	shalt  }
.Lfunc_end2:
_tile_overlayer_lowered:
.L_overlay_start_2:
0x1d4: {  	(tag) =	ssettag $0x2  }
0x1d5: {  	s0 =	rddreg [dreg:$0x0];
	s2 =	stileid.u32  }
0x1d6: {  	s1 =	rddreg [dreg:$0x1];
	p0 =	sne.s32 s2, $0x0  }
0x1d7: {  	s3 =	rddreg [dreg:$0x2];
	[bflag:$0x3] =	sbarrier.arrive $0xFFFF;
	s2 =	simm.s32 @!p0 $0x1C13  }
0x1d8: {  	[timem:s3], [sflag:s2] =	dma.local @!p0 [hbm:s0], s1  }
0x1d9: {  	s0 =	simm.s32 @!p0 $0x13  }
0x1da: {  	_ =	swait.ge @!p0 [sflag:s0], s1  }
0x1db: {  	s1 =	ssub.s32 @!p0 $0x0, s1;
	[sflag:s0] =	ssyncset.done @!p0 $0x0  }
0x1dc: {  	[sflag:s0] =	ssyncadd.s32 @!p0 s1  }
0x1dd: {  	[bflag:$0x3] =	sbarrier.arrive $0xFFFF  }
0x1de: {  	_ =	shalt  }

</sc_bundles>
